<compile_context>
chip_gen: v7x
topology: tpu7x:2x2x1
jax: 0.10.2.dev20260603
libtpu: 0.0.44.dev20260713+nightly
codegen_flags: <defaults>
</compile_context>

<pallas_src>
import jax
import jax.numpy as jnp
from jax import lax
from jax.experimental import pallas as pl
from jax.experimental.pallas import tpu as pltpu
from jax.experimental.pallas import tpu_sc as plsc

_VOCAB = 100000
_D = 128
_HID = 512
_B = 4096
_SEQ = 200

_NC = 2
_NS = 16
_NW = _NC * _NS
_BPW = _B // _NW
_CHUNK = 128
_NCHUNK = _BPW * _SEQ // _CHUNK
_NBUF = 4
_K = 2
_SEC = 40
_NSEC = _NCHUNK // _SEC
_ACC_ROWS = _NS * _BPW
_ALU_SLOTS = (0, 2)
_NV = _D // 16


def _pool_body(idx_hbm, scat_hbm, table_hbm, out_hbm,
               idx_v, scat_v, buf0, buf1, buf2, buf3, acc_loc, acc,
               g0, g1, g2, g3, s0, s1, s2, s3, isem):
    bufs = (buf0, buf1, buf2, buf3)
    gsems = (g0, g1, g2, g3)
    ssems = (s0, s1, s2, s3)
    c = lax.axis_index("c")
    s = lax.axis_index("s")
    wid = c * _NS + s

    pltpu.sync_copy(idx_hbm.at[wid, 0], idx_v.at[0])
    pltpu.sync_copy(scat_hbm.at[s, 0], scat_v.at[0])

    zero16 = jnp.zeros((16,), jnp.float32)

    @pl.loop(0, _BPW)
    def _(r):
        @pl.loop(0, _D, step=16)
        def _(k):
            acc_loc[r, pl.ds(k, 16)] = zero16

    pltpu.sync_copy(acc_loc, acc.at[pl.ds(s * _BPW, _BPW)])

    def idx_row(jj):
        return idx_v.at[(jj // _SEC) % 2, jj % _SEC]

    def scat_row(jj):
        return scat_v.at[(jj // _SEC) % 2, jj % _SEC]

    for b in range(_NBUF - _K):
        pltpu.async_copy(table_hbm.at[idx_row(b)], bufs[b], gsems[b])

    def alu_reduce(jj, b):
        p0 = jj * _CHUNK
        r0 = p0 // _SEQ
        bnd = jnp.minimum(_SEQ * (r0 + 1) - p0, _CHUNK)
        r1 = (p0 + _CHUNK - 1) // _SEQ

        def body(r, regs):
            return tuple(
                regs[m] + bufs[b][r, pl.ds(16 * m, 16)]
                for m in range(_NV))

        def flush(row, regs):
            for m in range(_NV):
                acc_loc[row, pl.ds(16 * m, 16)] = (
                    acc_loc[row, pl.ds(16 * m, 16)] + regs[m])

        def pbody(r, regs):
            return body(r, regs)

        init = (zero16,) * _NV
        flush(r0, plsc.parallel_loop(0, bnd, carry=init)(pbody))
        flush(r1, plsc.parallel_loop(bnd, _CHUNK, carry=init)(pbody))

    def slot(jj, b):
        b2 = (b + _NBUF - _K) % _NBUF
        if b == 0:
            @pl.when((jj % _SEC == 0) & (jj > 0))
            def _():
                pltpu.make_async_copy(
                    idx_hbm.at[wid, 0], idx_v.at[0], isem).wait()
                pltpu.make_async_copy(
                    scat_hbm.at[s, 0], scat_v.at[0], isem).wait()
        if b == _K:
            e = jj // _SEC
            @pl.when((jj % _SEC == _K) & (jj < _NCHUNK - _SEC))
            def _():
                pltpu.async_copy(
                    idx_hbm.at[wid, e + 1], idx_v.at[(e + 1) % 2], isem)
                pltpu.async_copy(
                    scat_hbm.at[s, e + 1], scat_v.at[(e + 1) % 2], isem)
        pltpu.make_async_copy(
            table_hbm.at[idx_row(jj)], bufs[b], gsems[b]).wait()
        nxt = jj + _NBUF - _K
        if b in _ALU_SLOTS:
            @pl.when(nxt < _NCHUNK)
            def _():
                pltpu.async_copy(
                    table_hbm.at[idx_row(nxt)], bufs[b2], gsems[b2])
            alu_reduce(jj, b)
        else:
            pltpu.async_copy(bufs[b], acc.at[scat_row(jj)], ssems[b],
                             add=True)

            @pl.when(nxt < _NCHUNK)
            def _():
                @pl.when(jj >= _K)
                def _():
                    pltpu.make_async_copy(
                        bufs[b2], acc.at[scat_row(jj - _K)],
                        ssems[b2]).wait()
                pltpu.async_copy(
                    table_hbm.at[idx_row(nxt)], bufs[b2], gsems[b2])

    @pl.loop(0, _NCHUNK, step=_NBUF)
    def _(j):
        for b in range(_NBUF):
            slot(j + b, b)

    for jj in range(_NCHUNK - _NBUF, _NCHUNK):
        bd = jj % _NBUF
        if bd not in _ALU_SLOTS and (jj + _NBUF - _K) >= _NCHUNK:
            pltpu.make_async_copy(bufs[bd], acc.at[scat_row(jj)],
                                  ssems[bd]).wait()
    pltpu.sync_copy(acc.at[pl.ds(s * _BPW, _BPW)],
                    out_hbm.at[pl.ds(wid * _BPW, _BPW)])
    pltpu.sync_copy(acc_loc, out_hbm.at[pl.ds(_B + wid * _BPW, _BPW)])


@jax.jit
def _sc_pool(idx3, scat_map, table):
    mesh = plsc.VectorSubcoreMesh(core_axis_name="c", subcore_axis_name="s")
    f = pl.kernel(
        _pool_body,
        out_type=jax.ShapeDtypeStruct((2 * _B, _D), jnp.float32),
        mesh=mesh,
        scratch_types=[
            pltpu.VMEM((2, _SEC, _CHUNK), jnp.int32),
            pltpu.VMEM((2, _SEC, _CHUNK), jnp.int32),
        ] + [pltpu.VMEM((_CHUNK, _D), jnp.float32)] * _NBUF
          + [pltpu.VMEM((_BPW, _D), jnp.float32)]
          + [pltpu.VMEM_SHARED((_ACC_ROWS, _D), jnp.float32)]
          + [pltpu.SemaphoreType.DMA] * (2 * _NBUF + 1),
    )
    return f(idx3, scat_map, table)


def _mlp_body(x_ref, w1_ref, b1_ref, w2_ref, b2_ref, o_ref):
    x = (x_ref[0] + x_ref[1]) * jnp.float32(1.0 / _SEQ)
    h = jnp.dot(x, w1_ref[...], preferred_element_type=jnp.float32)
    h = jnp.maximum(h + b1_ref[...], 0.0)
    z = jnp.dot(h, w2_ref[...], preferred_element_type=jnp.float32)
    z = z + b2_ref[...]
    m = jnp.max(z, axis=1, keepdims=True)
    e = jnp.exp(z - m)
    lse = jnp.log(jnp.sum(e, axis=1, keepdims=True)) + m
    o_ref[...] = z - lse


@jax.jit
def _tc_mlp(pooled, W1, b1, W2pad, b2pad):
    return pl.pallas_call(
        _mlp_body,
        out_shape=jax.ShapeDtypeStruct((_B, _D), jnp.float32),
    )(pooled, W1, b1, W2pad, b2pad)


@jax.jit
def kernel(sentence_indices, table, W1, b1, W2, b2):
    idx4 = sentence_indices.astype(jnp.int32).reshape(
        _NW, _NSEC, _SEC, _CHUNK)
    rel = (jnp.arange(_BPW * _SEQ, dtype=jnp.int32) // _SEQ).reshape(
        _NSEC, _SEC, _CHUNK)
    scat_map = rel[None] + (jnp.arange(_NS, dtype=jnp.int32) * _BPW)[
        :, None, None, None]
    pooled = _sc_pool(idx4, scat_map, table).reshape(2, _B, _D)

    W2pad = jnp.zeros((_HID, _D), jnp.float32).at[:, :2].set(W2)
    b2pad = jnp.full((1, _D), -1e30, jnp.float32).at[0, :2].set(b2)
    out = _tc_mlp(pooled, W1, b1.reshape(1, _HID), W2pad, b2pad)
    return out[:, :2]

# --- scband reference (transcript-rebuilt; emitter-appended) ---
"""Pipeline reference for scband-dan-6588479832188 (READ-ONLY COPY).

The authoritative reference and input builder live on the scoring server;
editing this copy changes nothing except your own understanding.
"""

import jax, jax.numpy as jnp
import numpy as np

VOCAB = 100000
EMBED_DIM = 128
HIDDEN_DIM = 512
OUTPUT_DIM = 2
BATCH = 4096
SEQ_LEN = 200


def setup_inputs(seed: int = 0) -> dict:
    key = jax.random.key(seed)
    k_idx, k_tab, k_w1, k_b1, k_w2, k_b2 = jax.random.split(key, 6)
    sentence_indices = jax.random.randint(k_idx, (BATCH, SEQ_LEN), 0, VOCAB, dtype=jnp.int64 if jax.config.jax_enable_x64 else jnp.int32)
    table = jax.random.normal(k_tab, (VOCAB, EMBED_DIM), dtype=jnp.float32) * 0.02
    W1 = jax.random.normal(k_w1, (EMBED_DIM, HIDDEN_DIM), dtype=jnp.float32) * (1.0 / np.sqrt(EMBED_DIM))
    b1 = jax.random.normal(k_b1, (HIDDEN_DIM,), dtype=jnp.float32) * 0.01
    W2 = jax.random.normal(k_w2, (HIDDEN_DIM, OUTPUT_DIM), dtype=jnp.float32) * (1.0 / np.sqrt(HIDDEN_DIM))
    b2 = jax.random.normal(k_b2, (OUTPUT_DIM,), dtype=jnp.float32) * 0.01
    return {"sentence_indices": sentence_indices, "table": table, "W1": W1, "b1": b1, "W2": W2, "b2": b2}


def reference(sentence_indices, table, W1, b1, W2, b2):
    # embedding lookup (gather)
    embedded = jnp.take(table, sentence_indices, axis=0)  # [B, L, D]
    # deep averaging
    avg_embedding = jnp.mean(embedded, axis=1)  # [B, D]
    # fc1 + relu
    x = jax.nn.relu(avg_embedding @ W1 + b1)
    # fc2
    x = x @ W2 + b2
    # log softmax over classes (dim=1)
    output = jax.nn.log_softmax(x, axis=1)
    return output

if __name__ == "__main__":
    import jax
    _d = setup_inputs()
    print(jax.jit(kernel)(*tuple(_d.values())))

</pallas_src>

<mosaic_0001>
#map = affine_map<(d0, d1) -> (0, 0, 0, 0)>
#map1 = affine_map<(d0, d1) -> (0, 0)>
module attributes {stable_mosaic.version = 14 : i64} {
  func.func @_pool_body(%arg0: i32, %arg1: i32, %arg2: memref<32x5x40x128xi32, #tpu.memory_space<hbm>>, %arg3: memref<16x5x40x128xi32, #tpu.memory_space<hbm>>, %arg4: memref<100000x128xf32, #tpu.memory_space<hbm>>, %arg5: memref<8192x128xf32, #tpu.memory_space<hbm>>, %arg6: memref<2x40x128xi32, #tpu.memory_space<vmem>>, %arg7: memref<2x40x128xi32, #tpu.memory_space<vmem>>, %arg8: memref<128x128xf32, #tpu.memory_space<vmem>>, %arg9: memref<128x128xf32, #tpu.memory_space<vmem>>, %arg10: memref<128x128xf32, #tpu.memory_space<vmem>>, %arg11: memref<128x128xf32, #tpu.memory_space<vmem>>, %arg12: memref<128x128xf32, #tpu.memory_space<vmem>>, %arg13: memref<2048x128xf32, #tpu.memory_space<vmem_shared>>, %arg14: memref<!tpu.dma_semaphore, #tpu.memory_space<semaphore_mem>>, %arg15: memref<!tpu.dma_semaphore, #tpu.memory_space<semaphore_mem>>, %arg16: memref<!tpu.dma_semaphore, #tpu.memory_space<semaphore_mem>>, %arg17: memref<!tpu.dma_semaphore, #tpu.memory_space<semaphore_mem>>, %arg18: memref<!tpu.dma_semaphore, #tpu.memory_space<semaphore_mem>>, %arg19: memref<!tpu.dma_semaphore, #tpu.memory_space<semaphore_mem>>, %arg20: memref<!tpu.dma_semaphore, #tpu.memory_space<semaphore_mem>>, %arg21: memref<!tpu.dma_semaphore, #tpu.memory_space<semaphore_mem>>, %arg22: memref<!tpu.dma_semaphore, #tpu.memory_space<semaphore_mem>>) attributes {dimension_semantics = [#tpu.dimension_semantics<core_parallel>, #tpu.dimension_semantics<subcore_parallel>], iteration_bounds = array<i64: 2, 16>, scalar_prefetch = 0 : i64, scratch_operands = 17 : i64, tpu.core_type = #tpu.core_type<sc_vector_subcore>, window_params = [{transform_indices = #map}, {transform_indices = #map}, {transform_indices = #map1}, {transform_indices = #map1}]} {
    %mul3A = arith.constant 16 : i32
    %mul3A_0 = arith.muli %arg0, %mul3A : i32
    %add3A = arith.addi %mul3A_0, %arg1 : i32
    %run_scoped3A = arith.constant 0 : i32
    %run_scoped3A_1 = arith.constant 0 : i32
    "tpu.region"() ({
      %run_scoped3A_46 = tpu.sem_alloc : memref<!tpu.dma_semaphore, #tpu.memory_space<semaphore_mem>>
      %dma_start3A_47 = arith.constant 0 : i32
      %dma_start3A_48 = arith.constant 0 : i32
      %dma_start3A_49 = tpu.memref_slice %arg6[%run_scoped3A_1, %dma_start3A_47, %dma_start3A_48] : memref<2x40x128xi32, #tpu.memory_space<vmem>> -> memref<1x40x128xi32, #tpu.memory_space<vmem>>
      %dma_start3A_50 = tpu.memref_squeeze %dma_start3A_49 : memref<1x40x128xi32, #tpu.memory_space<vmem>> -> memref<40x128xi32, #tpu.memory_space<vmem>>
      %dma_start3A_51 = arith.constant 0 : i32
      %dma_start3A_52 = arith.constant 0 : i32
      %dma_start3A_53 = tpu.memref_slice %arg2[%add3A, %run_scoped3A, %dma_start3A_51, %dma_start3A_52] : memref<32x5x40x128xi32, #tpu.memory_space<hbm>> -> memref<1x1x40x128xi32, #tpu.memory_space<hbm>>
      %dma_start3A_54 = tpu.memref_squeeze %dma_start3A_53 : memref<1x1x40x128xi32, #tpu.memory_space<hbm>> -> memref<40x128xi32, #tpu.memory_space<hbm>>
      %dma_start3A_55 = arith.constant 0 : i32
      %dma_start3A_56 = arith.constant 0 : i32
      %dma_start3A_57 = tpu.memref_slice %arg6[%run_scoped3A_1, %dma_start3A_55, %dma_start3A_56] : memref<2x40x128xi32, #tpu.memory_space<vmem>> -> memref<1x40x128xi32, #tpu.memory_space<vmem>>
      %dma_start3A_58 = tpu.memref_squeeze %dma_start3A_57 : memref<1x40x128xi32, #tpu.memory_space<vmem>> -> memref<40x128xi32, #tpu.memory_space<vmem>>
      %dma_start3A_59 = arith.constant 0 : i32
      %dma_start3A_60 = arith.constant 0 : i32
      %dma_start3A_61 = tpu.memref_slice %arg2[%add3A, %run_scoped3A, %dma_start3A_59, %dma_start3A_60] : memref<32x5x40x128xi32, #tpu.memory_space<hbm>> -> memref<1x1x40x128xi32, #tpu.memory_space<hbm>>
      %dma_start3A_62 = tpu.memref_squeeze %dma_start3A_61 : memref<1x1x40x128xi32, #tpu.memory_space<hbm>> -> memref<40x128xi32, #tpu.memory_space<hbm>>
      tpu.enqueue_dma source(%dma_start3A_62 : memref<40x128xi32, #tpu.memory_space<hbm>>) target(%dma_start3A_58 : memref<40x128xi32, #tpu.memory_space<vmem>>) target_semaphore(%run_scoped3A_46 : memref<!tpu.dma_semaphore, #tpu.memory_space<semaphore_mem>>)
      %dma_wait3A_63 = arith.constant 0 : i32
      %dma_wait3A_64 = arith.constant 0 : i32
      %dma_wait3A_65 = tpu.memref_slice %arg6[%run_scoped3A_1, %dma_wait3A_63, %dma_wait3A_64] : memref<2x40x128xi32, #tpu.memory_space<vmem>> -> memref<1x40x128xi32, #tpu.memory_space<vmem>>
      %dma_wait3A_66 = tpu.memref_squeeze %dma_wait3A_65 : memref<1x40x128xi32, #tpu.memory_space<vmem>> -> memref<40x128xi32, #tpu.memory_space<vmem>>
      %dma_wait3A_67 = arith.constant 0 : i32
      %dma_wait3A_68 = arith.constant 0 : i32
      %dma_wait3A_69 = tpu.memref_slice %arg2[%add3A, %run_scoped3A, %dma_wait3A_67, %dma_wait3A_68] : memref<32x5x40x128xi32, #tpu.memory_space<hbm>> -> memref<1x1x40x128xi32, #tpu.memory_space<hbm>>
      %dma_wait3A_70 = tpu.memref_squeeze %dma_wait3A_69 : memref<1x1x40x128xi32, #tpu.memory_space<hbm>> -> memref<40x128xi32, #tpu.memory_space<hbm>>
      %dma_wait3A_71 = arith.constant 0 : i32
      %dma_wait3A_72 = arith.constant 0 : i32
      %dma_wait3A_73 = tpu.memref_slice %arg6[%run_scoped3A_1, %dma_wait3A_71, %dma_wait3A_72] : memref<2x40x128xi32, #tpu.memory_space<vmem>> -> memref<1x40x128xi32, #tpu.memory_space<vmem>>
      %dma_wait3A_74 = tpu.memref_squeeze %dma_wait3A_73 : memref<1x40x128xi32, #tpu.memory_space<vmem>> -> memref<40x128xi32, #tpu.memory_space<vmem>>
      %dma_wait3A_75 = arith.constant 0 : i32
      %dma_wait3A_76 = arith.constant 0 : i32
      %dma_wait3A_77 = tpu.memref_slice %arg2[%add3A, %run_scoped3A, %dma_wait3A_75, %dma_wait3A_76] : memref<32x5x40x128xi32, #tpu.memory_space<hbm>> -> memref<1x1x40x128xi32, #tpu.memory_space<hbm>>
      %dma_wait3A_78 = tpu.memref_squeeze %dma_wait3A_77 : memref<1x1x40x128xi32, #tpu.memory_space<hbm>> -> memref<40x128xi32, #tpu.memory_space<hbm>>
      tpu.wait_dma2 semaphore(%run_scoped3A_46 : memref<!tpu.dma_semaphore, #tpu.memory_space<semaphore_mem>>) src(%dma_wait3A_78 : memref<40x128xi32, #tpu.memory_space<hbm>>) dst(%dma_wait3A_74 : memref<40x128xi32, #tpu.memory_space<vmem>>)
      tpu.yield
    }) : () -> ()
    %run_scoped3A_2 = arith.constant 0 : i32
    %run_scoped3A_3 = arith.constant 0 : i32
    "tpu.region"() ({
      %run_scoped3A_46 = tpu.sem_alloc : memref<!tpu.dma_semaphore, #tpu.memory_space<semaphore_mem>>
      %dma_start3A_47 = arith.constant 0 : i32
      %dma_start3A_48 = arith.constant 0 : i32
      %dma_start3A_49 = tpu.memref_slice %arg7[%run_scoped3A_3, %dma_start3A_47, %dma_start3A_48] : memref<2x40x128xi32, #tpu.memory_space<vmem>> -> memref<1x40x128xi32, #tpu.memory_space<vmem>>
      %dma_start3A_50 = tpu.memref_squeeze %dma_start3A_49 : memref<1x40x128xi32, #tpu.memory_space<vmem>> -> memref<40x128xi32, #tpu.memory_space<vmem>>
      %dma_start3A_51 = arith.constant 0 : i32
      %dma_start3A_52 = arith.constant 0 : i32
      %dma_start3A_53 = tpu.memref_slice %arg3[%arg1, %run_scoped3A_2, %dma_start3A_51, %dma_start3A_52] : memref<16x5x40x128xi32, #tpu.memory_space<hbm>> -> memref<1x1x40x128xi32, #tpu.memory_space<hbm>>
      %dma_start3A_54 = tpu.memref_squeeze %dma_start3A_53 : memref<1x1x40x128xi32, #tpu.memory_space<hbm>> -> memref<40x128xi32, #tpu.memory_space<hbm>>
      %dma_start3A_55 = arith.constant 0 : i32
      %dma_start3A_56 = arith.constant 0 : i32
      %dma_start3A_57 = tpu.memref_slice %arg7[%run_scoped3A_3, %dma_start3A_55, %dma_start3A_56] : memref<2x40x128xi32, #tpu.memory_space<vmem>> -> memref<1x40x128xi32, #tpu.memory_space<vmem>>
      %dma_start3A_58 = tpu.memref_squeeze %dma_start3A_57 : memref<1x40x128xi32, #tpu.memory_space<vmem>> -> memref<40x128xi32, #tpu.memory_space<vmem>>
      %dma_start3A_59 = arith.constant 0 : i32
      %dma_start3A_60 = arith.constant 0 : i32
      %dma_start3A_61 = tpu.memref_slice %arg3[%arg1, %run_scoped3A_2, %dma_start3A_59, %dma_start3A_60] : memref<16x5x40x128xi32, #tpu.memory_space<hbm>> -> memref<1x1x40x128xi32, #tpu.memory_space<hbm>>
      %dma_start3A_62 = tpu.memref_squeeze %dma_start3A_61 : memref<1x1x40x128xi32, #tpu.memory_space<hbm>> -> memref<40x128xi32, #tpu.memory_space<hbm>>
      tpu.enqueue_dma source(%dma_start3A_62 : memref<40x128xi32, #tpu.memory_space<hbm>>) target(%dma_start3A_58 : memref<40x128xi32, #tpu.memory_space<vmem>>) target_semaphore(%run_scoped3A_46 : memref<!tpu.dma_semaphore, #tpu.memory_space<semaphore_mem>>)
      %dma_wait3A_63 = arith.constant 0 : i32
      %dma_wait3A_64 = arith.constant 0 : i32
      %dma_wait3A_65 = tpu.memref_slice %arg7[%run_scoped3A_3, %dma_wait3A_63, %dma_wait3A_64] : memref<2x40x128xi32, #tpu.memory_space<vmem>> -> memref<1x40x128xi32, #tpu.memory_space<vmem>>
      %dma_wait3A_66 = tpu.memref_squeeze %dma_wait3A_65 : memref<1x40x128xi32, #tpu.memory_space<vmem>> -> memref<40x128xi32, #tpu.memory_space<vmem>>
      %dma_wait3A_67 = arith.constant 0 : i32
      %dma_wait3A_68 = arith.constant 0 : i32
      %dma_wait3A_69 = tpu.memref_slice %arg3[%arg1, %run_scoped3A_2, %dma_wait3A_67, %dma_wait3A_68] : memref<16x5x40x128xi32, #tpu.memory_space<hbm>> -> memref<1x1x40x128xi32, #tpu.memory_space<hbm>>
      %dma_wait3A_70 = tpu.memref_squeeze %dma_wait3A_69 : memref<1x1x40x128xi32, #tpu.memory_space<hbm>> -> memref<40x128xi32, #tpu.memory_space<hbm>>
      %dma_wait3A_71 = arith.constant 0 : i32
      %dma_wait3A_72 = arith.constant 0 : i32
      %dma_wait3A_73 = tpu.memref_slice %arg7[%run_scoped3A_3, %dma_wait3A_71, %dma_wait3A_72] : memref<2x40x128xi32, #tpu.memory_space<vmem>> -> memref<1x40x128xi32, #tpu.memory_space<vmem>>
      %dma_wait3A_74 = tpu.memref_squeeze %dma_wait3A_73 : memref<1x40x128xi32, #tpu.memory_space<vmem>> -> memref<40x128xi32, #tpu.memory_space<vmem>>
      %dma_wait3A_75 = arith.constant 0 : i32
      %dma_wait3A_76 = arith.constant 0 : i32
      %dma_wait3A_77 = tpu.memref_slice %arg3[%arg1, %run_scoped3A_2, %dma_wait3A_75, %dma_wait3A_76] : memref<16x5x40x128xi32, #tpu.memory_space<hbm>> -> memref<1x1x40x128xi32, #tpu.memory_space<hbm>>
      %dma_wait3A_78 = tpu.memref_squeeze %dma_wait3A_77 : memref<1x1x40x128xi32, #tpu.memory_space<hbm>> -> memref<40x128xi32, #tpu.memory_space<hbm>>
      tpu.wait_dma2 semaphore(%run_scoped3A_46 : memref<!tpu.dma_semaphore, #tpu.memory_space<semaphore_mem>>) src(%dma_wait3A_78 : memref<40x128xi32, #tpu.memory_space<hbm>>) dst(%dma_wait3A_74 : memref<40x128xi32, #tpu.memory_space<vmem>>)
      tpu.yield
    }) : () -> ()
    %broadcast_in_dim3A = arith.constant 0.000000e+00 : f32
    %broadcast_in_dim3A_4 = vector.broadcast %broadcast_in_dim3A : f32 to vector<16xf32>
    %scan3A = arith.constant 0 : i32
    %scan3A_5 = arith.constant 128 : i32
    %scan3A_6 = arith.addi %scan3A, %scan3A_5 : i32
    %scan3A_7 = arith.constant 1 : i32
    scf.for %scan3A_46 = %scan3A to %scan3A_6 step %scan3A_7  : i32 {
      %mul3A_47 = arith.constant 1 : i32
      %mul3A_48 = arith.muli %scan3A_46, %mul3A_47 : i32
      %add3A_49 = arith.constant 0 : i32
      %add3A_50 = arith.addi %add3A_49, %mul3A_48 : i32
      %scan3A_51 = arith.constant 0 : i32
      %scan3A_52 = arith.constant 8 : i32
      %scan3A_53 = arith.addi %scan3A_51, %scan3A_52 : i32
      %scan3A_54 = arith.constant 1 : i32
      scf.for %scan3A_56 = %scan3A_51 to %scan3A_53 step %scan3A_54  : i32 {
        %mul3A_57 = arith.constant 16 : i32
        %mul3A_58 = arith.muli %scan3A_56, %mul3A_57 : i32
        %add3A_59 = arith.constant 0 : i32
        %add3A_60 = arith.addi %add3A_59, %mul3A_58 : i32
        %swap3A = arith.index_cast %add3A_50 : i32 to index
        %swap3A_61 = arith.index_cast %add3A_60 : i32 to index
        %swap3A_62 = tpu.vector_load %arg12[%swap3A, %swap3A_61] {strides = array<i32>} : memref<128x128xf32, #tpu.memory_space<vmem>>, vector<1x16xf32>,
        %swap3A_63 = vector.shape_cast %swap3A_62 : vector<1x16xf32> to vector<16xf32>
        %swap3A_64 = vector.shape_cast %broadcast_in_dim3A_4 : vector<16xf32> to vector<1x16xf32>
        tpu.vector_store %arg12[%swap3A, %swap3A_61], %swap3A_64 {strides = array<i32>} : memref<128x128xf32, #tpu.memory_space<vmem>>, vector<1x16xf32>,
      }
      %scan3A_55 = arith.constant 8 : i32
    }
    %scan3A_8 = arith.constant 128 : i32
    %mul3A_9 = arith.constant 128 : i32
    %mul3A_10 = arith.muli %arg1, %mul3A_9 : i32
    "tpu.region"() ({
      %run_scoped3A_46 = tpu.sem_alloc : memref<!tpu.dma_semaphore, #tpu.memory_space<semaphore_mem>>
      %dma_start3A_47 = arith.constant 0 : i32
      %dma_start3A_48 = tpu.memref_slice %arg13[%mul3A_10, %dma_start3A_47] : memref<2048x128xf32, #tpu.memory_space<vmem_shared>> -> memref<128x128xf32, #tpu.memory_space<vmem_shared>>
      %dma_start3A_49 = arith.constant 0 : i32
      %dma_start3A_50 = tpu.memref_slice %arg13[%mul3A_10, %dma_start3A_49] : memref<2048x128xf32, #tpu.memory_space<vmem_shared>> -> memref<128x128xf32, #tpu.memory_space<vmem_shared>>
      tpu.enqueue_dma source(%arg12 : memref<128x128xf32, #tpu.memory_space<vmem>>) target(%dma_start3A_50 : memref<128x128xf32, #tpu.memory_space<vmem_shared>>) target_semaphore(%run_scoped3A_46 : memref<!tpu.dma_semaphore, #tpu.memory_space<semaphore_mem>>)
      %dma_wait3A_51 = arith.constant 0 : i32
      %dma_wait3A_52 = tpu.memref_slice %arg13[%mul3A_10, %dma_wait3A_51] : memref<2048x128xf32, #tpu.memory_space<vmem_shared>> -> memref<128x128xf32, #tpu.memory_space<vmem_shared>>
      %dma_wait3A_53 = arith.constant 0 : i32
      %dma_wait3A_54 = tpu.memref_slice %arg13[%mul3A_10, %dma_wait3A_53] : memref<2048x128xf32, #tpu.memory_space<vmem_shared>> -> memref<128x128xf32, #tpu.memory_space<vmem_shared>>
      tpu.wait_dma2 semaphore(%run_scoped3A_46 : memref<!tpu.dma_semaphore, #tpu.memory_space<semaphore_mem>>) src(%arg12 : memref<128x128xf32, #tpu.memory_space<vmem>>) dst(%dma_wait3A_54 : memref<128x128xf32, #tpu.memory_space<vmem_shared>>)
      tpu.yield
    }) : () -> ()
    %dma_start3A = arith.constant 0 : i32
    %dma_start3A_11 = arith.constant 0 : i32
    %dma_start3A_12 = arith.constant 0 : i32
    %dma_start3A_13 = tpu.memref_slice %arg6[%dma_start3A, %dma_start3A_11, %dma_start3A_12] : memref<2x40x128xi32, #tpu.memory_space<vmem>> -> memref<1x1x128xi32, #tpu.memory_space<vmem>>
    %dma_start3A_14 = tpu.memref_squeeze %dma_start3A_13 : memref<1x1x128xi32, #tpu.memory_space<vmem>> -> memref<128xi32, #tpu.memory_space<vmem>>
    %dma_start3A_15 = arith.constant 0 : i32
    %dma_start3A_16 = arith.constant 0 : i32
    %dma_start3A_17 = tpu.memref_slice %arg4[%dma_start3A_15, %dma_start3A_16] : memref<100000x128xf32, #tpu.memory_space<hbm>> -> memref<100000x128xf32, #tpu.memory_space<hbm>>
    tpu.enqueue_indirect_dma source(%dma_start3A_17 : memref<100000x128xf32, #tpu.memory_space<hbm>>) target(%arg8 : memref<128x128xf32, #tpu.memory_space<vmem>>) offsets(%dma_start3A_14 : memref<128xi32, #tpu.memory_space<vmem>>) semaphore(%arg14 : memref<!tpu.dma_semaphore, #tpu.memory_space<semaphore_mem>>)
    %dma_start3A_18 = arith.constant 0 : i32
    %dma_start3A_19 = arith.constant 1 : i32
    %dma_start3A_20 = arith.constant 0 : i32
    %dma_start3A_21 = tpu.memref_slice %arg6[%dma_start3A_18, %dma_start3A_19, %dma_start3A_20] : memref<2x40x128xi32, #tpu.memory_space<vmem>> -> memref<1x1x128xi32, #tpu.memory_space<vmem>>
    %dma_start3A_22 = tpu.memref_squeeze %dma_start3A_21 : memref<1x1x128xi32, #tpu.memory_space<vmem>> -> memref<128xi32, #tpu.memory_space<vmem>>
    %dma_start3A_23 = arith.constant 0 : i32
    %dma_start3A_24 = arith.constant 0 : i32
    %dma_start3A_25 = tpu.memref_slice %arg4[%dma_start3A_23, %dma_start3A_24] : memref<100000x128xf32, #tpu.memory_space<hbm>> -> memref<100000x128xf32, #tpu.memory_space<hbm>>
    tpu.enqueue_indirect_dma source(%dma_start3A_25 : memref<100000x128xf32, #tpu.memory_space<hbm>>) target(%arg9 : memref<128x128xf32, #tpu.memory_space<vmem>>) offsets(%dma_start3A_22 : memref<128xi32, #tpu.memory_space<vmem>>) semaphore(%arg15 : memref<!tpu.dma_semaphore, #tpu.memory_space<semaphore_mem>>)
    %scan3A_26 = arith.constant 0 : i32
    %scan3A_27 = arith.constant 50 : i32
    %scan3A_28 = arith.addi %scan3A_26, %scan3A_27 : i32
    %scan3A_29 = arith.constant 1 : i32
    scf.for %scan3A_46 = %scan3A_26 to %scan3A_28 step %scan3A_29  : i32 {
      %mul3A_47 = arith.constant 4 : i32
      %mul3A_48 = arith.muli %scan3A_46, %mul3A_47 : i32
      %add3A_49 = arith.constant 0 : i32
      %add3A_50 = arith.addi %add3A_49, %mul3A_48 : i32
      %add3A_51 = arith.constant 0 : i32
      %add3A_52 = arith.addi %add3A_50, %add3A_51 : i32
      %jit3A = arith.constant 40 : i32
      %eq3A = arith.constant 0 : i32
      %eq3A_53 = arith.cmpi eq, %jit3A, %eq3A : i32
      %jit3A_54 = arith.constant 1 : i32
      %select_n3A = arith.select %eq3A_53, %jit3A_54, %jit3A : i32
      %rem3A = arith.remsi %add3A_52, %select_n3A : i32
      %ne3A = arith.constant 0 : i32
      %ne3A_55 = arith.cmpi ne, %rem3A, %ne3A : i32
      %lt3A = arith.constant 0 : i32
      %lt3A_56 = arith.cmpi slt, %rem3A, %lt3A : i32
      %lt3A_57 = arith.constant 0 : i32
      %lt3A_58 = arith.cmpi slt, %select_n3A, %lt3A_57 : i32
      %ne3A_59 = arith.xori %lt3A_56, %lt3A_58 : i1
      %and3A = arith.andi %ne3A_59, %ne3A_55 : i1
      %add3A_60 = arith.addi %rem3A, %select_n3A : i32
      %select_n3A_61 = arith.select %and3A, %add3A_60, %rem3A : i32
      %eq3A_62 = arith.constant 0 : i32
      %eq3A_63 = arith.cmpi eq, %select_n3A_61, %eq3A_62 : i32
      %gt3A = arith.constant 0 : i32
      %gt3A_64 = arith.cmpi sgt, %add3A_52, %gt3A : i32
      %and3A_65 = arith.andi %eq3A_63, %gt3A_64 : i1
      %convert_element_type3A = arith.extui %and3A_65 : i1 to i32
      %cond3A = arith.constant 0 : i32
      %cond3A_66 = arith.cmpi ne, %convert_element_type3A, %cond3A : i32
      scf.if %cond3A_66 {
        %dma_wait3A_976 = arith.constant 0 : i32
        %dma_wait3A_977 = arith.constant 0 : i32
        %dma_wait3A_978 = arith.constant 0 : i32
        %dma_wait3A_979 = arith.constant 0 : i32
        %dma_wait3A_980 = tpu.memref_slice %arg6[%dma_wait3A_977, %dma_wait3A_978, %dma_wait3A_979] : memref<2x40x128xi32, #tpu.memory_space<vmem>> -> memref<1x40x128xi32, #tpu.memory_space<vmem>>
        %dma_wait3A_981 = tpu.memref_squeeze %dma_wait3A_980 : memref<1x40x128xi32, #tpu.memory_space<vmem>> -> memref<40x128xi32, #tpu.memory_space<vmem>>
        %dma_wait3A_982 = arith.constant 0 : i32
        %dma_wait3A_983 = arith.constant 0 : i32
        %dma_wait3A_984 = tpu.memref_slice %arg2[%add3A, %dma_wait3A_976, %dma_wait3A_982, %dma_wait3A_983] : memref<32x5x40x128xi32, #tpu.memory_space<hbm>> -> memref<1x1x40x128xi32, #tpu.memory_space<hbm>>
        %dma_wait3A_985 = tpu.memref_squeeze %dma_wait3A_984 : memref<1x1x40x128xi32, #tpu.memory_space<hbm>> -> memref<40x128xi32, #tpu.memory_space<hbm>>
        %dma_wait3A_986 = arith.constant 0 : i32
        %dma_wait3A_987 = arith.constant 0 : i32
        %dma_wait3A_988 = tpu.memref_slice %arg6[%dma_wait3A_977, %dma_wait3A_986, %dma_wait3A_987] : memref<2x40x128xi32, #tpu.memory_space<vmem>> -> memref<1x40x128xi32, #tpu.memory_space<vmem>>
        %dma_wait3A_989 = tpu.memref_squeeze %dma_wait3A_988 : memref<1x40x128xi32, #tpu.memory_space<vmem>> -> memref<40x128xi32, #tpu.memory_space<vmem>>
        %dma_wait3A_990 = arith.constant 0 : i32
        %dma_wait3A_991 = arith.constant 0 : i32
        %dma_wait3A_992 = tpu.memref_slice %arg2[%add3A, %dma_wait3A_976, %dma_wait3A_990, %dma_wait3A_991] : memref<32x5x40x128xi32, #tpu.memory_space<hbm>> -> memref<1x1x40x128xi32, #tpu.memory_space<hbm>>
        %dma_wait3A_993 = tpu.memref_squeeze %dma_wait3A_992 : memref<1x1x40x128xi32, #tpu.memory_space<hbm>> -> memref<40x128xi32, #tpu.memory_space<hbm>>
        tpu.wait_dma2 semaphore(%arg22 : memref<!tpu.dma_semaphore, #tpu.memory_space<semaphore_mem>>) src(%dma_wait3A_993 : memref<40x128xi32, #tpu.memory_space<hbm>>) dst(%dma_wait3A_989 : memref<40x128xi32, #tpu.memory_space<vmem>>)
        %dma_wait3A_994 = arith.constant 0 : i32
        %dma_wait3A_995 = arith.constant 0 : i32
        %dma_wait3A_996 = arith.constant 0 : i32
        %dma_wait3A_997 = arith.constant 0 : i32
        %dma_wait3A_998 = tpu.memref_slice %arg7[%dma_wait3A_995, %dma_wait3A_996, %dma_wait3A_997] : memref<2x40x128xi32, #tpu.memory_space<vmem>> -> memref<1x40x128xi32, #tpu.memory_space<vmem>>
        %dma_wait3A_999 = tpu.memref_squeeze %dma_wait3A_998 : memref<1x40x128xi32, #tpu.memory_space<vmem>> -> memref<40x128xi32, #tpu.memory_space<vmem>>
        %dma_wait3A_1000 = arith.constant 0 : i32
        %dma_wait3A_1001 = arith.constant 0 : i32
        %dma_wait3A_1002 = tpu.memref_slice %arg3[%arg1, %dma_wait3A_994, %dma_wait3A_1000, %dma_wait3A_1001] : memref<16x5x40x128xi32, #tpu.memory_space<hbm>> -> memref<1x1x40x128xi32, #tpu.memory_space<hbm>>
        %dma_wait3A_1003 = tpu.memref_squeeze %dma_wait3A_1002 : memref<1x1x40x128xi32, #tpu.memory_space<hbm>> -> memref<40x128xi32, #tpu.memory_space<hbm>>
        %dma_wait3A_1004 = arith.constant 0 : i32
        %dma_wait3A_1005 = arith.constant 0 : i32
        %dma_wait3A_1006 = tpu.memref_slice %arg7[%dma_wait3A_995, %dma_wait3A_1004, %dma_wait3A_1005] : memref<2x40x128xi32, #tpu.memory_space<vmem>> -> memref<1x40x128xi32, #tpu.memory_space<vmem>>
        %dma_wait3A_1007 = tpu.memref_squeeze %dma_wait3A_1006 : memref<1x40x128xi32, #tpu.memory_space<vmem>> -> memref<40x128xi32, #tpu.memory_space<vmem>>
        %dma_wait3A_1008 = arith.constant 0 : i32
        %dma_wait3A_1009 = arith.constant 0 : i32
        %dma_wait3A_1010 = tpu.memref_slice %arg3[%arg1, %dma_wait3A_994, %dma_wait3A_1008, %dma_wait3A_1009] : memref<16x5x40x128xi32, #tpu.memory_space<hbm>> -> memref<1x1x40x128xi32, #tpu.memory_space<hbm>>
        %dma_wait3A_1011 = tpu.memref_squeeze %dma_wait3A_1010 : memref<1x1x40x128xi32, #tpu.memory_space<hbm>> -> memref<40x128xi32, #tpu.memory_space<hbm>>
        tpu.wait_dma2 semaphore(%arg22 : memref<!tpu.dma_semaphore, #tpu.memory_space<semaphore_mem>>) src(%dma_wait3A_1011 : memref<40x128xi32, #tpu.memory_space<hbm>>) dst(%dma_wait3A_1007 : memref<40x128xi32, #tpu.memory_space<vmem>>)
      } else {
      }
      %jit3A_67 = arith.constant 40 : i32
      %div3A = arith.divsi %add3A_52, %jit3A_67 : i32
      %sign3A = arith.constant 0 : i32
      %sign3A_68 = arith.cmpi sgt, %add3A_52, %sign3A : i32
      %sign3A_69 = arith.extui %sign3A_68 : i1 to i32
      %sign3A_70 = arith.constant 0 : i32
      %sign3A_71 = arith.cmpi slt, %add3A_52, %sign3A_70 : i32
      %sign3A_72 = arith.extui %sign3A_71 : i1 to i32
      %sign3A_73 = arith.subi %sign3A_69, %sign3A_72 : i32
      %sign3A_74 = arith.constant 0 : i32
      %sign3A_75 = arith.cmpi sgt, %jit3A_67, %sign3A_74 : i32
      %sign3A_76 = arith.extui %sign3A_75 : i1 to i32
      %sign3A_77 = arith.constant 0 : i32
      %sign3A_78 = arith.cmpi slt, %jit3A_67, %sign3A_77 : i32
      %sign3A_79 = arith.extui %sign3A_78 : i1 to i32
      %sign3A_80 = arith.subi %sign3A_76, %sign3A_79 : i32
      %ne3A_81 = arith.cmpi ne, %sign3A_73, %sign3A_80 : i32
      %rem3A_82 = arith.remsi %add3A_52, %jit3A_67 : i32
      %ne3A_83 = arith.constant 0 : i32
      %ne3A_84 = arith.cmpi ne, %rem3A_82, %ne3A_83 : i32
      %and3A_85 = arith.andi %ne3A_81, %ne3A_84 : i1
      %sub3A = arith.constant 1 : i32
      %sub3A_86 = arith.subi %div3A, %sub3A : i32
      %select_n3A_87 = arith.select %and3A_85, %sub3A_86, %div3A : i32
      %jit3A_88 = arith.constant 2 : i32
      %eq3A_89 = arith.constant 0 : i32
      %eq3A_90 = arith.cmpi eq, %jit3A_88, %eq3A_89 : i32
      %jit3A_91 = arith.constant 1 : i32
      %select_n3A_92 = arith.select %eq3A_90, %jit3A_91, %jit3A_88 : i32
      %rem3A_93 = arith.remsi %select_n3A_87, %select_n3A_92 : i32
      %ne3A_94 = arith.constant 0 : i32
      %ne3A_95 = arith.cmpi ne, %rem3A_93, %ne3A_94 : i32
      %lt3A_96 = arith.constant 0 : i32
      %lt3A_97 = arith.cmpi slt, %rem3A_93, %lt3A_96 : i32
      %lt3A_98 = arith.constant 0 : i32
      %lt3A_99 = arith.cmpi slt, %select_n3A_92, %lt3A_98 : i32
      %ne3A_100 = arith.xori %lt3A_97, %lt3A_99 : i1
      %and3A_101 = arith.andi %ne3A_100, %ne3A_95 : i1
      %add3A_102 = arith.addi %rem3A_93, %select_n3A_92 : i32
      %select_n3A_103 = arith.select %and3A_101, %add3A_102, %rem3A_93 : i32
      %jit3A_104 = arith.constant 40 : i32
      %eq3A_105 = arith.constant 0 : i32
      %eq3A_106 = arith.cmpi eq, %jit3A_104, %eq3A_105 : i32
      %jit3A_107 = arith.constant 1 : i32
      %select_n3A_108 = arith.select %eq3A_106, %jit3A_107, %jit3A_104 : i32
      %rem3A_109 = arith.remsi %add3A_52, %select_n3A_108 : i32
      %ne3A_110 = arith.constant 0 : i32
      %ne3A_111 = arith.cmpi ne, %rem3A_109, %ne3A_110 : i32
      %lt3A_112 = arith.constant 0 : i32
      %lt3A_113 = arith.cmpi slt, %rem3A_109, %lt3A_112 : i32
      %lt3A_114 = arith.constant 0 : i32
      %lt3A_115 = arith.cmpi slt, %select_n3A_108, %lt3A_114 : i32
      %ne3A_116 = arith.xori %lt3A_113, %lt3A_115 : i1
      %and3A_117 = arith.andi %ne3A_116, %ne3A_111 : i1
      %add3A_118 = arith.addi %rem3A_109, %select_n3A_108 : i32
      %select_n3A_119 = arith.select %and3A_117, %add3A_118, %rem3A_109 : i32
      %dma_wait3A_120 = arith.constant 0 : i32
      %dma_wait3A_121 = tpu.memref_slice %arg6[%select_n3A_103, %select_n3A_119, %dma_wait3A_120] : memref<2x40x128xi32, #tpu.memory_space<vmem>> -> memref<1x1x128xi32, #tpu.memory_space<vmem>>
      %dma_wait3A_122 = tpu.memref_squeeze %dma_wait3A_121 : memref<1x1x128xi32, #tpu.memory_space<vmem>> -> memref<128xi32, #tpu.memory_space<vmem>>
      %dma_wait3A_123 = arith.constant 0 : i32
      %dma_wait3A_124 = arith.constant 0 : i32
      %dma_wait3A_125 = tpu.memref_slice %arg4[%dma_wait3A_123, %dma_wait3A_124] : memref<100000x128xf32, #tpu.memory_space<hbm>> -> memref<100000x128xf32, #tpu.memory_space<hbm>>
      tpu.wait_indirect_dma semaphore(%arg14 : memref<!tpu.dma_semaphore, #tpu.memory_space<semaphore_mem>>) src(%dma_wait3A_125 : memref<100000x128xf32, #tpu.memory_space<hbm>>) dst(%arg8 : memref<128x128xf32, #tpu.memory_space<vmem>>)
      %add3A_126 = arith.constant 4 : i32
      %add3A_127 = arith.addi %add3A_52, %add3A_126 : i32
      %sub3A_128 = arith.constant 2 : i32
      %sub3A_129 = arith.subi %add3A_127, %sub3A_128 : i32
      %lt3A_130 = arith.constant 200 : i32
      %lt3A_131 = arith.cmpi slt, %sub3A_129, %lt3A_130 : i32
      %convert_element_type3A_132 = arith.extui %lt3A_131 : i1 to i32
      %cond3A_133 = arith.constant 0 : i32
      %cond3A_134 = arith.cmpi ne, %convert_element_type3A_132, %cond3A_133 : i32
      scf.if %cond3A_134 {
        %jit3A_976 = arith.constant 40 : i32
        %div3A_977 = arith.divsi %sub3A_129, %jit3A_976 : i32
        %sign3A_978 = arith.constant 0 : i32
        %sign3A_979 = arith.cmpi sgt, %sub3A_129, %sign3A_978 : i32
        %sign3A_980 = arith.extui %sign3A_979 : i1 to i32
        %sign3A_981 = arith.constant 0 : i32
        %sign3A_982 = arith.cmpi slt, %sub3A_129, %sign3A_981 : i32
        %sign3A_983 = arith.extui %sign3A_982 : i1 to i32
        %sign3A_984 = arith.subi %sign3A_980, %sign3A_983 : i32
        %sign3A_985 = arith.constant 0 : i32
        %sign3A_986 = arith.cmpi sgt, %jit3A_976, %sign3A_985 : i32
        %sign3A_987 = arith.extui %sign3A_986 : i1 to i32
        %sign3A_988 = arith.constant 0 : i32
        %sign3A_989 = arith.cmpi slt, %jit3A_976, %sign3A_988 : i32
        %sign3A_990 = arith.extui %sign3A_989 : i1 to i32
        %sign3A_991 = arith.subi %sign3A_987, %sign3A_990 : i32
        %ne3A_992 = arith.cmpi ne, %sign3A_984, %sign3A_991 : i32
        %rem3A_993 = arith.remsi %sub3A_129, %jit3A_976 : i32
        %ne3A_994 = arith.constant 0 : i32
        %ne3A_995 = arith.cmpi ne, %rem3A_993, %ne3A_994 : i32
        %and3A_996 = arith.andi %ne3A_992, %ne3A_995 : i1
        %sub3A_997 = arith.constant 1 : i32
        %sub3A_998 = arith.subi %div3A_977, %sub3A_997 : i32
        %select_n3A_999 = arith.select %and3A_996, %sub3A_998, %div3A_977 : i32
        %jit3A_1000 = arith.constant 2 : i32
        %eq3A_1001 = arith.constant 0 : i32
        %eq3A_1002 = arith.cmpi eq, %jit3A_1000, %eq3A_1001 : i32
        %jit3A_1003 = arith.constant 1 : i32
        %select_n3A_1004 = arith.select %eq3A_1002, %jit3A_1003, %jit3A_1000 : i32
        %rem3A_1005 = arith.remsi %select_n3A_999, %select_n3A_1004 : i32
        %ne3A_1006 = arith.constant 0 : i32
        %ne3A_1007 = arith.cmpi ne, %rem3A_1005, %ne3A_1006 : i32
        %lt3A_1008 = arith.constant 0 : i32
        %lt3A_1009 = arith.cmpi slt, %rem3A_1005, %lt3A_1008 : i32
        %lt3A_1010 = arith.constant 0 : i32
        %lt3A_1011 = arith.cmpi slt, %select_n3A_1004, %lt3A_1010 : i32
        %ne3A_1012 = arith.xori %lt3A_1009, %lt3A_1011 : i1
        %and3A_1013 = arith.andi %ne3A_1012, %ne3A_1007 : i1
        %add3A_1014 = arith.addi %rem3A_1005, %select_n3A_1004 : i32
        %select_n3A_1015 = arith.select %and3A_1013, %add3A_1014, %rem3A_1005 : i32
        %jit3A_1016 = arith.constant 40 : i32
        %eq3A_1017 = arith.constant 0 : i32
        %eq3A_1018 = arith.cmpi eq, %jit3A_1016, %eq3A_1017 : i32
        %jit3A_1019 = arith.constant 1 : i32
        %select_n3A_1020 = arith.select %eq3A_1018, %jit3A_1019, %jit3A_1016 : i32
        %rem3A_1021 = arith.remsi %sub3A_129, %select_n3A_1020 : i32
        %ne3A_1022 = arith.constant 0 : i32
        %ne3A_1023 = arith.cmpi ne, %rem3A_1021, %ne3A_1022 : i32
        %lt3A_1024 = arith.constant 0 : i32
        %lt3A_1025 = arith.cmpi slt, %rem3A_1021, %lt3A_1024 : i32
        %lt3A_1026 = arith.constant 0 : i32
        %lt3A_1027 = arith.cmpi slt, %select_n3A_1020, %lt3A_1026 : i32
        %ne3A_1028 = arith.xori %lt3A_1025, %lt3A_1027 : i1
        %and3A_1029 = arith.andi %ne3A_1028, %ne3A_1023 : i1
        %add3A_1030 = arith.addi %rem3A_1021, %select_n3A_1020 : i32
        %select_n3A_1031 = arith.select %and3A_1029, %add3A_1030, %rem3A_1021 : i32
        %dma_start3A_1032 = arith.constant 0 : i32
        %dma_start3A_1033 = tpu.memref_slice %arg6[%select_n3A_1015, %select_n3A_1031, %dma_start3A_1032] : memref<2x40x128xi32, #tpu.memory_space<vmem>> -> memref<1x1x128xi32, #tpu.memory_space<vmem>>
        %dma_start3A_1034 = tpu.memref_squeeze %dma_start3A_1033 : memref<1x1x128xi32, #tpu.memory_space<vmem>> -> memref<128xi32, #tpu.memory_space<vmem>>
        %dma_start3A_1035 = arith.constant 0 : i32
        %dma_start3A_1036 = arith.constant 0 : i32
        %dma_start3A_1037 = tpu.memref_slice %arg4[%dma_start3A_1035, %dma_start3A_1036] : memref<100000x128xf32, #tpu.memory_space<hbm>> -> memref<100000x128xf32, #tpu.memory_space<hbm>>
        tpu.enqueue_indirect_dma source(%dma_start3A_1037 : memref<100000x128xf32, #tpu.memory_space<hbm>>) target(%arg10 : memref<128x128xf32, #tpu.memory_space<vmem>>) offsets(%dma_start3A_1034 : memref<128xi32, #tpu.memory_space<vmem>>) semaphore(%arg16 : memref<!tpu.dma_semaphore, #tpu.memory_space<semaphore_mem>>)
      } else {
      }
      %mul3A_135 = arith.constant 128 : i32
      %mul3A_136 = arith.muli %add3A_52, %mul3A_135 : i32
      %jit3A_137 = arith.constant 200 : i32
      %div3A_138 = arith.divsi %mul3A_136, %jit3A_137 : i32
      %sign3A_139 = arith.constant 0 : i32
      %sign3A_140 = arith.cmpi sgt, %mul3A_136, %sign3A_139 : i32
      %sign3A_141 = arith.extui %sign3A_140 : i1 to i32
      %sign3A_142 = arith.constant 0 : i32
      %sign3A_143 = arith.cmpi slt, %mul3A_136, %sign3A_142 : i32
      %sign3A_144 = arith.extui %sign3A_143 : i1 to i32
      %sign3A_145 = arith.subi %sign3A_141, %sign3A_144 : i32
      %sign3A_146 = arith.constant 0 : i32
      %sign3A_147 = arith.cmpi sgt, %jit3A_137, %sign3A_146 : i32
      %sign3A_148 = arith.extui %sign3A_147 : i1 to i32
      %sign3A_149 = arith.constant 0 : i32
      %sign3A_150 = arith.cmpi slt, %jit3A_137, %sign3A_149 : i32
      %sign3A_151 = arith.extui %sign3A_150 : i1 to i32
      %sign3A_152 = arith.subi %sign3A_148, %sign3A_151 : i32
      %ne3A_153 = arith.cmpi ne, %sign3A_145, %sign3A_152 : i32
      %rem3A_154 = arith.remsi %mul3A_136, %jit3A_137 : i32
      %ne3A_155 = arith.constant 0 : i32
      %ne3A_156 = arith.cmpi ne, %rem3A_154, %ne3A_155 : i32
      %and3A_157 = arith.andi %ne3A_153, %ne3A_156 : i1
      %sub3A_158 = arith.constant 1 : i32
      %sub3A_159 = arith.subi %div3A_138, %sub3A_158 : i32
      %select_n3A_160 = arith.select %and3A_157, %sub3A_159, %div3A_138 : i32
      %add3A_161 = arith.constant 1 : i32
      %add3A_162 = arith.addi %select_n3A_160, %add3A_161 : i32
      %mul3A_163 = arith.constant 200 : i32
      %mul3A_164 = arith.muli %mul3A_163, %add3A_162 : i32
      %sub3A_165 = arith.subi %mul3A_164, %mul3A_136 : i32
      %min3A = arith.constant 128 : i32
      %min3A_166 = arith.minsi %sub3A_165, %min3A : i32
      %add3A_167 = arith.constant 128 : i32
      %add3A_168 = arith.addi %mul3A_136, %add3A_167 : i32
      %sub3A_169 = arith.constant 1 : i32
      %sub3A_170 = arith.subi %add3A_168, %sub3A_169 : i32
      %jit3A_171 = arith.constant 200 : i32
      %div3A_172 = arith.divsi %sub3A_170, %jit3A_171 : i32
      %sign3A_173 = arith.constant 0 : i32
      %sign3A_174 = arith.cmpi sgt, %sub3A_170, %sign3A_173 : i32
      %sign3A_175 = arith.extui %sign3A_174 : i1 to i32
      %sign3A_176 = arith.constant 0 : i32
      %sign3A_177 = arith.cmpi slt, %sub3A_170, %sign3A_176 : i32
      %sign3A_178 = arith.extui %sign3A_177 : i1 to i32
      %sign3A_179 = arith.subi %sign3A_175, %sign3A_178 : i32
      %sign3A_180 = arith.constant 0 : i32
      %sign3A_181 = arith.cmpi sgt, %jit3A_171, %sign3A_180 : i32
      %sign3A_182 = arith.extui %sign3A_181 : i1 to i32
      %sign3A_183 = arith.constant 0 : i32
      %sign3A_184 = arith.cmpi slt, %jit3A_171, %sign3A_183 : i32
      %sign3A_185 = arith.extui %sign3A_184 : i1 to i32
      %sign3A_186 = arith.subi %sign3A_182, %sign3A_185 : i32
      %ne3A_187 = arith.cmpi ne, %sign3A_179, %sign3A_186 : i32
      %rem3A_188 = arith.remsi %sub3A_170, %jit3A_171 : i32
      %ne3A_189 = arith.constant 0 : i32
      %ne3A_190 = arith.cmpi ne, %rem3A_188, %ne3A_189 : i32
      %and3A_191 = arith.andi %ne3A_187, %ne3A_190 : i1
      %sub3A_192 = arith.constant 1 : i32
      %sub3A_193 = arith.subi %div3A_172, %sub3A_192 : i32
      %select_n3A_194 = arith.select %and3A_191, %sub3A_193, %div3A_172 : i32
      %parallel_loop3A = arith.constant 0 : i32
      %parallel_loop3A_195 = arith.constant 1 : i32
      %parallel_loop3A_196:8 = scf.for %parallel_loop3A_976 = %parallel_loop3A to %min3A_166 step %parallel_loop3A_195 iter_args(%parallel_loop3A_977 = %broadcast_in_dim3A_4, %parallel_loop3A_978 = %broadcast_in_dim3A_4, %parallel_loop3A_979 = %broadcast_in_dim3A_4, %parallel_loop3A_980 = %broadcast_in_dim3A_4, %parallel_loop3A_981 = %broadcast_in_dim3A_4, %parallel_loop3A_982 = %broadcast_in_dim3A_4, %parallel_loop3A_983 = %broadcast_in_dim3A_4, %parallel_loop3A_984 = %broadcast_in_dim3A_4) -> (vector<16xf32>, vector<16xf32>, vector<16xf32>, vector<16xf32>, vector<16xf32>, vector<16xf32>, vector<16xf32>, vector<16xf32>)  : i32 {
        %parallel_loop3A_985 = arith.index_cast %parallel_loop3A_976 : i32 to index
        %parallel_loop3A_986 = arith.constant 0 : index
        %parallel_loop3A_987 = tpu.vector_load %arg8[%parallel_loop3A_985, %parallel_loop3A_986] {strides = array<i32>} : memref<128x128xf32, #tpu.memory_space<vmem>>, vector<1x16xf32>,
        %parallel_loop3A_988 = vector.shape_cast %parallel_loop3A_987 : vector<1x16xf32> to vector<16xf32>
        %parallel_loop3A_989 = arith.addf %parallel_loop3A_977, %parallel_loop3A_988 : vector<16xf32>
        %parallel_loop3A_990 = arith.index_cast %parallel_loop3A_976 : i32 to index
        %parallel_loop3A_991 = arith.constant 16 : index
        %parallel_loop3A_992 = tpu.vector_load %arg8[%parallel_loop3A_990, %parallel_loop3A_991] {strides = array<i32>} : memref<128x128xf32, #tpu.memory_space<vmem>>, vector<1x16xf32>,
        %parallel_loop3A_993 = vector.shape_cast %parallel_loop3A_992 : vector<1x16xf32> to vector<16xf32>
        %parallel_loop3A_994 = arith.addf %parallel_loop3A_978, %parallel_loop3A_993 : vector<16xf32>
        %parallel_loop3A_995 = arith.index_cast %parallel_loop3A_976 : i32 to index
        %parallel_loop3A_996 = arith.constant 32 : index
        %parallel_loop3A_997 = tpu.vector_load %arg8[%parallel_loop3A_995, %parallel_loop3A_996] {strides = array<i32>} : memref<128x128xf32, #tpu.memory_space<vmem>>, vector<1x16xf32>,
        %parallel_loop3A_998 = vector.shape_cast %parallel_loop3A_997 : vector<1x16xf32> to vector<16xf32>
        %parallel_loop3A_999 = arith.addf %parallel_loop3A_979, %parallel_loop3A_998 : vector<16xf32>
        %parallel_loop3A_1000 = arith.index_cast %parallel_loop3A_976 : i32 to index
        %parallel_loop3A_1001 = arith.constant 48 : index
        %parallel_loop3A_1002 = tpu.vector_load %arg8[%parallel_loop3A_1000, %parallel_loop3A_1001] {strides = array<i32>} : memref<128x128xf32, #tpu.memory_space<vmem>>, vector<1x16xf32>,
        %parallel_loop3A_1003 = vector.shape_cast %parallel_loop3A_1002 : vector<1x16xf32> to vector<16xf32>
        %parallel_loop3A_1004 = arith.addf %parallel_loop3A_980, %parallel_loop3A_1003 : vector<16xf32>
        %parallel_loop3A_1005 = arith.index_cast %parallel_loop3A_976 : i32 to index
        %parallel_loop3A_1006 = arith.constant 64 : index
        %parallel_loop3A_1007 = tpu.vector_load %arg8[%parallel_loop3A_1005, %parallel_loop3A_1006] {strides = array<i32>} : memref<128x128xf32, #tpu.memory_space<vmem>>, vector<1x16xf32>,
        %parallel_loop3A_1008 = vector.shape_cast %parallel_loop3A_1007 : vector<1x16xf32> to vector<16xf32>
        %parallel_loop3A_1009 = arith.addf %parallel_loop3A_981, %parallel_loop3A_1008 : vector<16xf32>
        %parallel_loop3A_1010 = arith.index_cast %parallel_loop3A_976 : i32 to index
        %parallel_loop3A_1011 = arith.constant 80 : index
        %parallel_loop3A_1012 = tpu.vector_load %arg8[%parallel_loop3A_1010, %parallel_loop3A_1011] {strides = array<i32>} : memref<128x128xf32, #tpu.memory_space<vmem>>, vector<1x16xf32>,
        %parallel_loop3A_1013 = vector.shape_cast %parallel_loop3A_1012 : vector<1x16xf32> to vector<16xf32>
        %parallel_loop3A_1014 = arith.addf %parallel_loop3A_982, %parallel_loop3A_1013 : vector<16xf32>
        %parallel_loop3A_1015 = arith.index_cast %parallel_loop3A_976 : i32 to index
        %parallel_loop3A_1016 = arith.constant 96 : index
        %parallel_loop3A_1017 = tpu.vector_load %arg8[%parallel_loop3A_1015, %parallel_loop3A_1016] {strides = array<i32>} : memref<128x128xf32, #tpu.memory_space<vmem>>, vector<1x16xf32>,
        %parallel_loop3A_1018 = vector.shape_cast %parallel_loop3A_1017 : vector<1x16xf32> to vector<16xf32>
        %parallel_loop3A_1019 = arith.addf %parallel_loop3A_983, %parallel_loop3A_1018 : vector<16xf32>
        %parallel_loop3A_1020 = arith.index_cast %parallel_loop3A_976 : i32 to index
        %parallel_loop3A_1021 = arith.constant 112 : index
        %parallel_loop3A_1022 = tpu.vector_load %arg8[%parallel_loop3A_1020, %parallel_loop3A_1021] {strides = array<i32>} : memref<128x128xf32, #tpu.memory_space<vmem>>, vector<1x16xf32>,
        %parallel_loop3A_1023 = vector.shape_cast %parallel_loop3A_1022 : vector<1x16xf32> to vector<16xf32>
        %parallel_loop3A_1024 = arith.addf %parallel_loop3A_984, %parallel_loop3A_1023 : vector<16xf32>
        scf.yield %parallel_loop3A_989, %parallel_loop3A_994, %parallel_loop3A_999, %parallel_loop3A_1004, %parallel_loop3A_1009, %parallel_loop3A_1014, %parallel_loop3A_1019, %parallel_loop3A_1024 : vector<16xf32>, vector<16xf32>, vector<16xf32>, vector<16xf32>, vector<16xf32>, vector<16xf32>, vector<16xf32>, vector<16xf32>
      } {sc.loop_unroll_factor = 1 : i64, sc.parallel_access}
      %get3A = arith.index_cast %select_n3A_160 : i32 to index
      %get3A_197 = arith.constant 0 : index
      %get3A_198 = tpu.vector_load %arg12[%get3A, %get3A_197] {strides = array<i32>} : memref<128x128xf32, #tpu.memory_space<vmem>>, vector<1x16xf32>,
      %get3A_199 = vector.shape_cast %get3A_198 : vector<1x16xf32> to vector<16xf32>
      %add3A_200 = arith.addf %get3A_199, %parallel_loop3A_196#0 : vector<16xf32>
      %swap3A = arith.index_cast %select_n3A_160 : i32 to index
      %swap3A_201 = arith.constant 0 : index
      %swap3A_202 = tpu.vector_load %arg12[%swap3A, %swap3A_201] {strides = array<i32>} : memref<128x128xf32, #tpu.memory_space<vmem>>, vector<1x16xf32>,
      %swap3A_203 = vector.shape_cast %swap3A_202 : vector<1x16xf32> to vector<16xf32>
      %swap3A_204 = vector.shape_cast %add3A_200 : vector<16xf32> to vector<1x16xf32>
      tpu.vector_store %arg12[%swap3A, %swap3A_201], %swap3A_204 {strides = array<i32>} : memref<128x128xf32, #tpu.memory_space<vmem>>, vector<1x16xf32>,
      %get3A_205 = arith.index_cast %select_n3A_160 : i32 to index
      %get3A_206 = arith.constant 16 : index
      %get3A_207 = tpu.vector_load %arg12[%get3A_205, %get3A_206] {strides = array<i32>} : memref<128x128xf32, #tpu.memory_space<vmem>>, vector<1x16xf32>,
      %get3A_208 = vector.shape_cast %get3A_207 : vector<1x16xf32> to vector<16xf32>
      %add3A_209 = arith.addf %get3A_208, %parallel_loop3A_196#1 : vector<16xf32>
      %swap3A_210 = arith.index_cast %select_n3A_160 : i32 to index
      %swap3A_211 = arith.constant 16 : index
      %swap3A_212 = tpu.vector_load %arg12[%swap3A_210, %swap3A_211] {strides = array<i32>} : memref<128x128xf32, #tpu.memory_space<vmem>>, vector<1x16xf32>,
      %swap3A_213 = vector.shape_cast %swap3A_212 : vector<1x16xf32> to vector<16xf32>
      %swap3A_214 = vector.shape_cast %add3A_209 : vector<16xf32> to vector<1x16xf32>
      tpu.vector_store %arg12[%swap3A_210, %swap3A_211], %swap3A_214 {strides = array<i32>} : memref<128x128xf32, #tpu.memory_space<vmem>>, vector<1x16xf32>,
      %get3A_215 = arith.index_cast %select_n3A_160 : i32 to index
      %get3A_216 = arith.constant 32 : index
      %get3A_217 = tpu.vector_load %arg12[%get3A_215, %get3A_216] {strides = array<i32>} : memref<128x128xf32, #tpu.memory_space<vmem>>, vector<1x16xf32>,
      %get3A_218 = vector.shape_cast %get3A_217 : vector<1x16xf32> to vector<16xf32>
      %add3A_219 = arith.addf %get3A_218, %parallel_loop3A_196#2 : vector<16xf32>
      %swap3A_220 = arith.index_cast %select_n3A_160 : i32 to index
      %swap3A_221 = arith.constant 32 : index
      %swap3A_222 = tpu.vector_load %arg12[%swap3A_220, %swap3A_221] {strides = array<i32>} : memref<128x128xf32, #tpu.memory_space<vmem>>, vector<1x16xf32>,
      %swap3A_223 = vector.shape_cast %swap3A_222 : vector<1x16xf32> to vector<16xf32>
      %swap3A_224 = vector.shape_cast %add3A_219 : vector<16xf32> to vector<1x16xf32>
      tpu.vector_store %arg12[%swap3A_220, %swap3A_221], %swap3A_224 {strides = array<i32>} : memref<128x128xf32, #tpu.memory_space<vmem>>, vector<1x16xf32>,
      %get3A_225 = arith.index_cast %select_n3A_160 : i32 to index
      %get3A_226 = arith.constant 48 : index
      %get3A_227 = tpu.vector_load %arg12[%get3A_225, %get3A_226] {strides = array<i32>} : memref<128x128xf32, #tpu.memory_space<vmem>>, vector<1x16xf32>,
      %get3A_228 = vector.shape_cast %get3A_227 : vector<1x16xf32> to vector<16xf32>
      %add3A_229 = arith.addf %get3A_228, %parallel_loop3A_196#3 : vector<16xf32>
      %swap3A_230 = arith.index_cast %select_n3A_160 : i32 to index
      %swap3A_231 = arith.constant 48 : index
      %swap3A_232 = tpu.vector_load %arg12[%swap3A_230, %swap3A_231] {strides = array<i32>} : memref<128x128xf32, #tpu.memory_space<vmem>>, vector<1x16xf32>,
      %swap3A_233 = vector.shape_cast %swap3A_232 : vector<1x16xf32> to vector<16xf32>
      %swap3A_234 = vector.shape_cast %add3A_229 : vector<16xf32> to vector<1x16xf32>
      tpu.vector_store %arg12[%swap3A_230, %swap3A_231], %swap3A_234 {strides = array<i32>} : memref<128x128xf32, #tpu.memory_space<vmem>>, vector<1x16xf32>,
      %get3A_235 = arith.index_cast %select_n3A_160 : i32 to index
      %get3A_236 = arith.constant 64 : index
      %get3A_237 = tpu.vector_load %arg12[%get3A_235, %get3A_236] {strides = array<i32>} : memref<128x128xf32, #tpu.memory_space<vmem>>, vector<1x16xf32>,
      %get3A_238 = vector.shape_cast %get3A_237 : vector<1x16xf32> to vector<16xf32>
      %add3A_239 = arith.addf %get3A_238, %parallel_loop3A_196#4 : vector<16xf32>
      %swap3A_240 = arith.index_cast %select_n3A_160 : i32 to index
      %swap3A_241 = arith.constant 64 : index
      %swap3A_242 = tpu.vector_load %arg12[%swap3A_240, %swap3A_241] {strides = array<i32>} : memref<128x128xf32, #tpu.memory_space<vmem>>, vector<1x16xf32>,
      %swap3A_243 = vector.shape_cast %swap3A_242 : vector<1x16xf32> to vector<16xf32>
      %swap3A_244 = vector.shape_cast %add3A_239 : vector<16xf32> to vector<1x16xf32>
      tpu.vector_store %arg12[%swap3A_240, %swap3A_241], %swap3A_244 {strides = array<i32>} : memref<128x128xf32, #tpu.memory_space<vmem>>, vector<1x16xf32>,
      %get3A_245 = arith.index_cast %select_n3A_160 : i32 to index
      %get3A_246 = arith.constant 80 : index
      %get3A_247 = tpu.vector_load %arg12[%get3A_245, %get3A_246] {strides = array<i32>} : memref<128x128xf32, #tpu.memory_space<vmem>>, vector<1x16xf32>,
      %get3A_248 = vector.shape_cast %get3A_247 : vector<1x16xf32> to vector<16xf32>
      %add3A_249 = arith.addf %get3A_248, %parallel_loop3A_196#5 : vector<16xf32>
      %swap3A_250 = arith.index_cast %select_n3A_160 : i32 to index
      %swap3A_251 = arith.constant 80 : index
      %swap3A_252 = tpu.vector_load %arg12[%swap3A_250, %swap3A_251] {strides = array<i32>} : memref<128x128xf32, #tpu.memory_space<vmem>>, vector<1x16xf32>,
      %swap3A_253 = vector.shape_cast %swap3A_252 : vector<1x16xf32> to vector<16xf32>
      %swap3A_254 = vector.shape_cast %add3A_249 : vector<16xf32> to vector<1x16xf32>
      tpu.vector_store %arg12[%swap3A_250, %swap3A_251], %swap3A_254 {strides = array<i32>} : memref<128x128xf32, #tpu.memory_space<vmem>>, vector<1x16xf32>,
      %get3A_255 = arith.index_cast %select_n3A_160 : i32 to index
      %get3A_256 = arith.constant 96 : index
      %get3A_257 = tpu.vector_load %arg12[%get3A_255, %get3A_256] {strides = array<i32>} : memref<128x128xf32, #tpu.memory_space<vmem>>, vector<1x16xf32>,
      %get3A_258 = vector.shape_cast %get3A_257 : vector<1x16xf32> to vector<16xf32>
      %add3A_259 = arith.addf %get3A_258, %parallel_loop3A_196#6 : vector<16xf32>
      %swap3A_260 = arith.index_cast %select_n3A_160 : i32 to index
      %swap3A_261 = arith.constant 96 : index
      %swap3A_262 = tpu.vector_load %arg12[%swap3A_260, %swap3A_261] {strides = array<i32>} : memref<128x128xf32, #tpu.memory_space<vmem>>, vector<1x16xf32>,
      %swap3A_263 = vector.shape_cast %swap3A_262 : vector<1x16xf32> to vector<16xf32>
      %swap3A_264 = vector.shape_cast %add3A_259 : vector<16xf32> to vector<1x16xf32>
      tpu.vector_store %arg12[%swap3A_260, %swap3A_261], %swap3A_264 {strides = array<i32>} : memref<128x128xf32, #tpu.memory_space<vmem>>, vector<1x16xf32>,
      %get3A_265 = arith.index_cast %select_n3A_160 : i32 to index
      %get3A_266 = arith.constant 112 : index
      %get3A_267 = tpu.vector_load %arg12[%get3A_265, %get3A_266] {strides = array<i32>} : memref<128x128xf32, #tpu.memory_space<vmem>>, vector<1x16xf32>,
      %get3A_268 = vector.shape_cast %get3A_267 : vector<1x16xf32> to vector<16xf32>
      %add3A_269 = arith.addf %get3A_268, %parallel_loop3A_196#7 : vector<16xf32>
      %swap3A_270 = arith.index_cast %select_n3A_160 : i32 to index
      %swap3A_271 = arith.constant 112 : index
      %swap3A_272 = tpu.vector_load %arg12[%swap3A_270, %swap3A_271] {strides = array<i32>} : memref<128x128xf32, #tpu.memory_space<vmem>>, vector<1x16xf32>,
      %swap3A_273 = vector.shape_cast %swap3A_272 : vector<1x16xf32> to vector<16xf32>
      %swap3A_274 = vector.shape_cast %add3A_269 : vector<16xf32> to vector<1x16xf32>
      tpu.vector_store %arg12[%swap3A_270, %swap3A_271], %swap3A_274 {strides = array<i32>} : memref<128x128xf32, #tpu.memory_space<vmem>>, vector<1x16xf32>,
      %parallel_loop3A_275 = arith.constant 128 : i32
      %parallel_loop3A_276 = arith.constant 1 : i32
      %parallel_loop3A_277:8 = scf.for %parallel_loop3A_976 = %min3A_166 to %parallel_loop3A_275 step %parallel_loop3A_276 iter_args(%parallel_loop3A_977 = %broadcast_in_dim3A_4, %parallel_loop3A_978 = %broadcast_in_dim3A_4, %parallel_loop3A_979 = %broadcast_in_dim3A_4, %parallel_loop3A_980 = %broadcast_in_dim3A_4, %parallel_loop3A_981 = %broadcast_in_dim3A_4, %parallel_loop3A_982 = %broadcast_in_dim3A_4, %parallel_loop3A_983 = %broadcast_in_dim3A_4, %parallel_loop3A_984 = %broadcast_in_dim3A_4) -> (vector<16xf32>, vector<16xf32>, vector<16xf32>, vector<16xf32>, vector<16xf32>, vector<16xf32>, vector<16xf32>, vector<16xf32>)  : i32 {
        %parallel_loop3A_985 = arith.index_cast %parallel_loop3A_976 : i32 to index
        %parallel_loop3A_986 = arith.constant 0 : index
        %parallel_loop3A_987 = tpu.vector_load %arg8[%parallel_loop3A_985, %parallel_loop3A_986] {strides = array<i32>} : memref<128x128xf32, #tpu.memory_space<vmem>>, vector<1x16xf32>,
        %parallel_loop3A_988 = vector.shape_cast %parallel_loop3A_987 : vector<1x16xf32> to vector<16xf32>
        %parallel_loop3A_989 = arith.addf %parallel_loop3A_977, %parallel_loop3A_988 : vector<16xf32>
        %parallel_loop3A_990 = arith.index_cast %parallel_loop3A_976 : i32 to index
        %parallel_loop3A_991 = arith.constant 16 : index
        %parallel_loop3A_992 = tpu.vector_load %arg8[%parallel_loop3A_990, %parallel_loop3A_991] {strides = array<i32>} : memref<128x128xf32, #tpu.memory_space<vmem>>, vector<1x16xf32>,
        %parallel_loop3A_993 = vector.shape_cast %parallel_loop3A_992 : vector<1x16xf32> to vector<16xf32>
        %parallel_loop3A_994 = arith.addf %parallel_loop3A_978, %parallel_loop3A_993 : vector<16xf32>
        %parallel_loop3A_995 = arith.index_cast %parallel_loop3A_976 : i32 to index
        %parallel_loop3A_996 = arith.constant 32 : index
        %parallel_loop3A_997 = tpu.vector_load %arg8[%parallel_loop3A_995, %parallel_loop3A_996] {strides = array<i32>} : memref<128x128xf32, #tpu.memory_space<vmem>>, vector<1x16xf32>,
        %parallel_loop3A_998 = vector.shape_cast %parallel_loop3A_997 : vector<1x16xf32> to vector<16xf32>
        %parallel_loop3A_999 = arith.addf %parallel_loop3A_979, %parallel_loop3A_998 : vector<16xf32>
        %parallel_loop3A_1000 = arith.index_cast %parallel_loop3A_976 : i32 to index
        %parallel_loop3A_1001 = arith.constant 48 : index
        %parallel_loop3A_1002 = tpu.vector_load %arg8[%parallel_loop3A_1000, %parallel_loop3A_1001] {strides = array<i32>} : memref<128x128xf32, #tpu.memory_space<vmem>>, vector<1x16xf32>,
        %parallel_loop3A_1003 = vector.shape_cast %parallel_loop3A_1002 : vector<1x16xf32> to vector<16xf32>
        %parallel_loop3A_1004 = arith.addf %parallel_loop3A_980, %parallel_loop3A_1003 : vector<16xf32>
        %parallel_loop3A_1005 = arith.index_cast %parallel_loop3A_976 : i32 to index
        %parallel_loop3A_1006 = arith.constant 64 : index
        %parallel_loop3A_1007 = tpu.vector_load %arg8[%parallel_loop3A_1005, %parallel_loop3A_1006] {strides = array<i32>} : memref<128x128xf32, #tpu.memory_space<vmem>>, vector<1x16xf32>,
        %parallel_loop3A_1008 = vector.shape_cast %parallel_loop3A_1007 : vector<1x16xf32> to vector<16xf32>
        %parallel_loop3A_1009 = arith.addf %parallel_loop3A_981, %parallel_loop3A_1008 : vector<16xf32>
        %parallel_loop3A_1010 = arith.index_cast %parallel_loop3A_976 : i32 to index
        %parallel_loop3A_1011 = arith.constant 80 : index
        %parallel_loop3A_1012 = tpu.vector_load %arg8[%parallel_loop3A_1010, %parallel_loop3A_1011] {strides = array<i32>} : memref<128x128xf32, #tpu.memory_space<vmem>>, vector<1x16xf32>,
        %parallel_loop3A_1013 = vector.shape_cast %parallel_loop3A_1012 : vector<1x16xf32> to vector<16xf32>
        %parallel_loop3A_1014 = arith.addf %parallel_loop3A_982, %parallel_loop3A_1013 : vector<16xf32>
        %parallel_loop3A_1015 = arith.index_cast %parallel_loop3A_976 : i32 to index
        %parallel_loop3A_1016 = arith.constant 96 : index
        %parallel_loop3A_1017 = tpu.vector_load %arg8[%parallel_loop3A_1015, %parallel_loop3A_1016] {strides = array<i32>} : memref<128x128xf32, #tpu.memory_space<vmem>>, vector<1x16xf32>,
        %parallel_loop3A_1018 = vector.shape_cast %parallel_loop3A_1017 : vector<1x16xf32> to vector<16xf32>
        %parallel_loop3A_1019 = arith.addf %parallel_loop3A_983, %parallel_loop3A_1018 : vector<16xf32>
        %parallel_loop3A_1020 = arith.index_cast %parallel_loop3A_976 : i32 to index
        %parallel_loop3A_1021 = arith.constant 112 : index
        %parallel_loop3A_1022 = tpu.vector_load %arg8[%parallel_loop3A_1020, %parallel_loop3A_1021] {strides = array<i32>} : memref<128x128xf32, #tpu.memory_space<vmem>>, vector<1x16xf32>,
        %parallel_loop3A_1023 = vector.shape_cast %parallel_loop3A_1022 : vector<1x16xf32> to vector<16xf32>
        %parallel_loop3A_1024 = arith.addf %parallel_loop3A_984, %parallel_loop3A_1023 : vector<16xf32>
        scf.yield %parallel_loop3A_989, %parallel_loop3A_994, %parallel_loop3A_999, %parallel_loop3A_1004, %parallel_loop3A_1009, %parallel_loop3A_1014, %parallel_loop3A_1019, %parallel_loop3A_1024 : vector<16xf32>, vector<16xf32>, vector<16xf32>, vector<16xf32>, vector<16xf32>, vector<16xf32>, vector<16xf32>, vector<16xf32>
      } {sc.loop_unroll_factor = 1 : i64, sc.parallel_access}
      %get3A_278 = arith.index_cast %select_n3A_194 : i32 to index
      %get3A_279 = arith.constant 0 : index
      %get3A_280 = tpu.vector_load %arg12[%get3A_278, %get3A_279] {strides = array<i32>} : memref<128x128xf32, #tpu.memory_space<vmem>>, vector<1x16xf32>,
      %get3A_281 = vector.shape_cast %get3A_280 : vector<1x16xf32> to vector<16xf32>
      %add3A_282 = arith.addf %get3A_281, %parallel_loop3A_277#0 : vector<16xf32>
      %swap3A_283 = arith.index_cast %select_n3A_194 : i32 to index
      %swap3A_284 = arith.constant 0 : index
      %swap3A_285 = tpu.vector_load %arg12[%swap3A_283, %swap3A_284] {strides = array<i32>} : memref<128x128xf32, #tpu.memory_space<vmem>>, vector<1x16xf32>,
      %swap3A_286 = vector.shape_cast %swap3A_285 : vector<1x16xf32> to vector<16xf32>
      %swap3A_287 = vector.shape_cast %add3A_282 : vector<16xf32> to vector<1x16xf32>
      tpu.vector_store %arg12[%swap3A_283, %swap3A_284], %swap3A_287 {strides = array<i32>} : memref<128x128xf32, #tpu.memory_space<vmem>>, vector<1x16xf32>,
      %get3A_288 = arith.index_cast %select_n3A_194 : i32 to index
      %get3A_289 = arith.constant 16 : index
      %get3A_290 = tpu.vector_load %arg12[%get3A_288, %get3A_289] {strides = array<i32>} : memref<128x128xf32, #tpu.memory_space<vmem>>, vector<1x16xf32>,
      %get3A_291 = vector.shape_cast %get3A_290 : vector<1x16xf32> to vector<16xf32>
      %add3A_292 = arith.addf %get3A_291, %parallel_loop3A_277#1 : vector<16xf32>
      %swap3A_293 = arith.index_cast %select_n3A_194 : i32 to index
      %swap3A_294 = arith.constant 16 : index
      %swap3A_295 = tpu.vector_load %arg12[%swap3A_293, %swap3A_294] {strides = array<i32>} : memref<128x128xf32, #tpu.memory_space<vmem>>, vector<1x16xf32>,
      %swap3A_296 = vector.shape_cast %swap3A_295 : vector<1x16xf32> to vector<16xf32>
      %swap3A_297 = vector.shape_cast %add3A_292 : vector<16xf32> to vector<1x16xf32>
      tpu.vector_store %arg12[%swap3A_293, %swap3A_294], %swap3A_297 {strides = array<i32>} : memref<128x128xf32, #tpu.memory_space<vmem>>, vector<1x16xf32>,
      %get3A_298 = arith.index_cast %select_n3A_194 : i32 to index
      %get3A_299 = arith.constant 32 : index
      %get3A_300 = tpu.vector_load %arg12[%get3A_298, %get3A_299] {strides = array<i32>} : memref<128x128xf32, #tpu.memory_space<vmem>>, vector<1x16xf32>,
      %get3A_301 = vector.shape_cast %get3A_300 : vector<1x16xf32> to vector<16xf32>
      %add3A_302 = arith.addf %get3A_301, %parallel_loop3A_277#2 : vector<16xf32>
      %swap3A_303 = arith.index_cast %select_n3A_194 : i32 to index
      %swap3A_304 = arith.constant 32 : index
      %swap3A_305 = tpu.vector_load %arg12[%swap3A_303, %swap3A_304] {strides = array<i32>} : memref<128x128xf32, #tpu.memory_space<vmem>>, vector<1x16xf32>,
      %swap3A_306 = vector.shape_cast %swap3A_305 : vector<1x16xf32> to vector<16xf32>
      %swap3A_307 = vector.shape_cast %add3A_302 : vector<16xf32> to vector<1x16xf32>
      tpu.vector_store %arg12[%swap3A_303, %swap3A_304], %swap3A_307 {strides = array<i32>} : memref<128x128xf32, #tpu.memory_space<vmem>>, vector<1x16xf32>,
      %get3A_308 = arith.index_cast %select_n3A_194 : i32 to index
      %get3A_309 = arith.constant 48 : index
      %get3A_310 = tpu.vector_load %arg12[%get3A_308, %get3A_309] {strides = array<i32>} : memref<128x128xf32, #tpu.memory_space<vmem>>, vector<1x16xf32>,
      %get3A_311 = vector.shape_cast %get3A_310 : vector<1x16xf32> to vector<16xf32>
      %add3A_312 = arith.addf %get3A_311, %parallel_loop3A_277#3 : vector<16xf32>
      %swap3A_313 = arith.index_cast %select_n3A_194 : i32 to index
      %swap3A_314 = arith.constant 48 : index
      %swap3A_315 = tpu.vector_load %arg12[%swap3A_313, %swap3A_314] {strides = array<i32>} : memref<128x128xf32, #tpu.memory_space<vmem>>, vector<1x16xf32>,
      %swap3A_316 = vector.shape_cast %swap3A_315 : vector<1x16xf32> to vector<16xf32>
      %swap3A_317 = vector.shape_cast %add3A_312 : vector<16xf32> to vector<1x16xf32>
      tpu.vector_store %arg12[%swap3A_313, %swap3A_314], %swap3A_317 {strides = array<i32>} : memref<128x128xf32, #tpu.memory_space<vmem>>, vector<1x16xf32>,
      %get3A_318 = arith.index_cast %select_n3A_194 : i32 to index
      %get3A_319 = arith.constant 64 : index
      %get3A_320 = tpu.vector_load %arg12[%get3A_318, %get3A_319] {strides = array<i32>} : memref<128x128xf32, #tpu.memory_space<vmem>>, vector<1x16xf32>,
      %get3A_321 = vector.shape_cast %get3A_320 : vector<1x16xf32> to vector<16xf32>
      %add3A_322 = arith.addf %get3A_321, %parallel_loop3A_277#4 : vector<16xf32>
      %swap3A_323 = arith.index_cast %select_n3A_194 : i32 to index
      %swap3A_324 = arith.constant 64 : index
      %swap3A_325 = tpu.vector_load %arg12[%swap3A_323, %swap3A_324] {strides = array<i32>} : memref<128x128xf32, #tpu.memory_space<vmem>>, vector<1x16xf32>,
      %swap3A_326 = vector.shape_cast %swap3A_325 : vector<1x16xf32> to vector<16xf32>
      %swap3A_327 = vector.shape_cast %add3A_322 : vector<16xf32> to vector<1x16xf32>
      tpu.vector_store %arg12[%swap3A_323, %swap3A_324], %swap3A_327 {strides = array<i32>} : memref<128x128xf32, #tpu.memory_space<vmem>>, vector<1x16xf32>,
      %get3A_328 = arith.index_cast %select_n3A_194 : i32 to index
      %get3A_329 = arith.constant 80 : index
      %get3A_330 = tpu.vector_load %arg12[%get3A_328, %get3A_329] {strides = array<i32>} : memref<128x128xf32, #tpu.memory_space<vmem>>, vector<1x16xf32>,
      %get3A_331 = vector.shape_cast %get3A_330 : vector<1x16xf32> to vector<16xf32>
      %add3A_332 = arith.addf %get3A_331, %parallel_loop3A_277#5 : vector<16xf32>
      %swap3A_333 = arith.index_cast %select_n3A_194 : i32 to index
      %swap3A_334 = arith.constant 80 : index
      %swap3A_335 = tpu.vector_load %arg12[%swap3A_333, %swap3A_334] {strides = array<i32>} : memref<128x128xf32, #tpu.memory_space<vmem>>, vector<1x16xf32>,
      %swap3A_336 = vector.shape_cast %swap3A_335 : vector<1x16xf32> to vector<16xf32>
      %swap3A_337 = vector.shape_cast %add3A_332 : vector<16xf32> to vector<1x16xf32>
      tpu.vector_store %arg12[%swap3A_333, %swap3A_334], %swap3A_337 {strides = array<i32>} : memref<128x128xf32, #tpu.memory_space<vmem>>, vector<1x16xf32>,
      %get3A_338 = arith.index_cast %select_n3A_194 : i32 to index
      %get3A_339 = arith.constant 96 : index
      %get3A_340 = tpu.vector_load %arg12[%get3A_338, %get3A_339] {strides = array<i32>} : memref<128x128xf32, #tpu.memory_space<vmem>>, vector<1x16xf32>,
      %get3A_341 = vector.shape_cast %get3A_340 : vector<1x16xf32> to vector<16xf32>
      %add3A_342 = arith.addf %get3A_341, %parallel_loop3A_277#6 : vector<16xf32>
      %swap3A_343 = arith.index_cast %select_n3A_194 : i32 to index
      %swap3A_344 = arith.constant 96 : index
      %swap3A_345 = tpu.vector_load %arg12[%swap3A_343, %swap3A_344] {strides = array<i32>} : memref<128x128xf32, #tpu.memory_space<vmem>>, vector<1x16xf32>,
      %swap3A_346 = vector.shape_cast %swap3A_345 : vector<1x16xf32> to vector<16xf32>
      %swap3A_347 = vector.shape_cast %add3A_342 : vector<16xf32> to vector<1x16xf32>
      tpu.vector_store %arg12[%swap3A_343, %swap3A_344], %swap3A_347 {strides = array<i32>} : memref<128x128xf32, #tpu.memory_space<vmem>>, vector<1x16xf32>,
      %get3A_348 = arith.index_cast %select_n3A_194 : i32 to index
      %get3A_349 = arith.constant 112 : index
      %get3A_350 = tpu.vector_load %arg12[%get3A_348, %get3A_349] {strides = array<i32>} : memref<128x128xf32, #tpu.memory_space<vmem>>, vector<1x16xf32>,
      %get3A_351 = vector.shape_cast %get3A_350 : vector<1x16xf32> to vector<16xf32>
      %add3A_352 = arith.addf %get3A_351, %parallel_loop3A_277#7 : vector<16xf32>
      %swap3A_353 = arith.index_cast %select_n3A_194 : i32 to index
      %swap3A_354 = arith.constant 112 : index
      %swap3A_355 = tpu.vector_load %arg12[%swap3A_353, %swap3A_354] {strides = array<i32>} : memref<128x128xf32, #tpu.memory_space<vmem>>, vector<1x16xf32>,
      %swap3A_356 = vector.shape_cast %swap3A_355 : vector<1x16xf32> to vector<16xf32>
      %swap3A_357 = vector.shape_cast %add3A_352 : vector<16xf32> to vector<1x16xf32>
      tpu.vector_store %arg12[%swap3A_353, %swap3A_354], %swap3A_357 {strides = array<i32>} : memref<128x128xf32, #tpu.memory_space<vmem>>, vector<1x16xf32>,
      %add3A_358 = arith.constant 1 : i32
      %add3A_359 = arith.addi %add3A_50, %add3A_358 : i32
      %jit3A_360 = arith.constant 40 : i32
      %div3A_361 = arith.divsi %add3A_359, %jit3A_360 : i32
      %sign3A_362 = arith.constant 0 : i32
      %sign3A_363 = arith.cmpi sgt, %add3A_359, %sign3A_362 : i32
      %sign3A_364 = arith.extui %sign3A_363 : i1 to i32
      %sign3A_365 = arith.constant 0 : i32
      %sign3A_366 = arith.cmpi slt, %add3A_359, %sign3A_365 : i32
      %sign3A_367 = arith.extui %sign3A_366 : i1 to i32
      %sign3A_368 = arith.subi %sign3A_364, %sign3A_367 : i32
      %sign3A_369 = arith.constant 0 : i32
      %sign3A_370 = arith.cmpi sgt, %jit3A_360, %sign3A_369 : i32
      %sign3A_371 = arith.extui %sign3A_370 : i1 to i32
      %sign3A_372 = arith.constant 0 : i32
      %sign3A_373 = arith.cmpi slt, %jit3A_360, %sign3A_372 : i32
      %sign3A_374 = arith.extui %sign3A_373 : i1 to i32
      %sign3A_375 = arith.subi %sign3A_371, %sign3A_374 : i32
      %ne3A_376 = arith.cmpi ne, %sign3A_368, %sign3A_375 : i32
      %rem3A_377 = arith.remsi %add3A_359, %jit3A_360 : i32
      %ne3A_378 = arith.constant 0 : i32
      %ne3A_379 = arith.cmpi ne, %rem3A_377, %ne3A_378 : i32
      %and3A_380 = arith.andi %ne3A_376, %ne3A_379 : i1
      %sub3A_381 = arith.constant 1 : i32
      %sub3A_382 = arith.subi %div3A_361, %sub3A_381 : i32
      %select_n3A_383 = arith.select %and3A_380, %sub3A_382, %div3A_361 : i32
      %jit3A_384 = arith.constant 2 : i32
      %eq3A_385 = arith.constant 0 : i32
      %eq3A_386 = arith.cmpi eq, %jit3A_384, %eq3A_385 : i32
      %jit3A_387 = arith.constant 1 : i32
      %select_n3A_388 = arith.select %eq3A_386, %jit3A_387, %jit3A_384 : i32
      %rem3A_389 = arith.remsi %select_n3A_383, %select_n3A_388 : i32
      %ne3A_390 = arith.constant 0 : i32
      %ne3A_391 = arith.cmpi ne, %rem3A_389, %ne3A_390 : i32
      %lt3A_392 = arith.constant 0 : i32
      %lt3A_393 = arith.cmpi slt, %rem3A_389, %lt3A_392 : i32
      %lt3A_394 = arith.constant 0 : i32
      %lt3A_395 = arith.cmpi slt, %select_n3A_388, %lt3A_394 : i32
      %ne3A_396 = arith.xori %lt3A_393, %lt3A_395 : i1
      %and3A_397 = arith.andi %ne3A_396, %ne3A_391 : i1
      %add3A_398 = arith.addi %rem3A_389, %select_n3A_388 : i32
      %select_n3A_399 = arith.select %and3A_397, %add3A_398, %rem3A_389 : i32
      %jit3A_400 = arith.constant 40 : i32
      %eq3A_401 = arith.constant 0 : i32
      %eq3A_402 = arith.cmpi eq, %jit3A_400, %eq3A_401 : i32
      %jit3A_403 = arith.constant 1 : i32
      %select_n3A_404 = arith.select %eq3A_402, %jit3A_403, %jit3A_400 : i32
      %rem3A_405 = arith.remsi %add3A_359, %select_n3A_404 : i32
      %ne3A_406 = arith.constant 0 : i32
      %ne3A_407 = arith.cmpi ne, %rem3A_405, %ne3A_406 : i32
      %lt3A_408 = arith.constant 0 : i32
      %lt3A_409 = arith.cmpi slt, %rem3A_405, %lt3A_408 : i32
      %lt3A_410 = arith.constant 0 : i32
      %lt3A_411 = arith.cmpi slt, %select_n3A_404, %lt3A_410 : i32
      %ne3A_412 = arith.xori %lt3A_409, %lt3A_411 : i1
      %and3A_413 = arith.andi %ne3A_412, %ne3A_407 : i1
      %add3A_414 = arith.addi %rem3A_405, %select_n3A_404 : i32
      %select_n3A_415 = arith.select %and3A_413, %add3A_414, %rem3A_405 : i32
      %dma_wait3A_416 = arith.constant 0 : i32
      %dma_wait3A_417 = tpu.memref_slice %arg6[%select_n3A_399, %select_n3A_415, %dma_wait3A_416] : memref<2x40x128xi32, #tpu.memory_space<vmem>> -> memref<1x1x128xi32, #tpu.memory_space<vmem>>
      %dma_wait3A_418 = tpu.memref_squeeze %dma_wait3A_417 : memref<1x1x128xi32, #tpu.memory_space<vmem>> -> memref<128xi32, #tpu.memory_space<vmem>>
      %dma_wait3A_419 = arith.constant 0 : i32
      %dma_wait3A_420 = arith.constant 0 : i32
      %dma_wait3A_421 = tpu.memref_slice %arg4[%dma_wait3A_419, %dma_wait3A_420] : memref<100000x128xf32, #tpu.memory_space<hbm>> -> memref<100000x128xf32, #tpu.memory_space<hbm>>
      tpu.wait_indirect_dma semaphore(%arg15 : memref<!tpu.dma_semaphore, #tpu.memory_space<semaphore_mem>>) src(%dma_wait3A_421 : memref<100000x128xf32, #tpu.memory_space<hbm>>) dst(%arg9 : memref<128x128xf32, #tpu.memory_space<vmem>>)
      %add3A_422 = arith.constant 4 : i32
      %add3A_423 = arith.addi %add3A_359, %add3A_422 : i32
      %sub3A_424 = arith.constant 2 : i32
      %sub3A_425 = arith.subi %add3A_423, %sub3A_424 : i32
      %jit3A_426 = arith.constant 40 : i32
      %div3A_427 = arith.divsi %add3A_359, %jit3A_426 : i32
      %sign3A_428 = arith.constant 0 : i32
      %sign3A_429 = arith.cmpi sgt, %add3A_359, %sign3A_428 : i32
      %sign3A_430 = arith.extui %sign3A_429 : i1 to i32
      %sign3A_431 = arith.constant 0 : i32
      %sign3A_432 = arith.cmpi slt, %add3A_359, %sign3A_431 : i32
      %sign3A_433 = arith.extui %sign3A_432 : i1 to i32
      %sign3A_434 = arith.subi %sign3A_430, %sign3A_433 : i32
      %sign3A_435 = arith.constant 0 : i32
      %sign3A_436 = arith.cmpi sgt, %jit3A_426, %sign3A_435 : i32
      %sign3A_437 = arith.extui %sign3A_436 : i1 to i32
      %sign3A_438 = arith.constant 0 : i32
      %sign3A_439 = arith.cmpi slt, %jit3A_426, %sign3A_438 : i32
      %sign3A_440 = arith.extui %sign3A_439 : i1 to i32
      %sign3A_441 = arith.subi %sign3A_437, %sign3A_440 : i32
      %ne3A_442 = arith.cmpi ne, %sign3A_434, %sign3A_441 : i32
      %rem3A_443 = arith.remsi %add3A_359, %jit3A_426 : i32
      %ne3A_444 = arith.constant 0 : i32
      %ne3A_445 = arith.cmpi ne, %rem3A_443, %ne3A_444 : i32
      %and3A_446 = arith.andi %ne3A_442, %ne3A_445 : i1
      %sub3A_447 = arith.constant 1 : i32
      %sub3A_448 = arith.subi %div3A_427, %sub3A_447 : i32
      %select_n3A_449 = arith.select %and3A_446, %sub3A_448, %div3A_427 : i32
      %jit3A_450 = arith.constant 2 : i32
      %eq3A_451 = arith.constant 0 : i32
      %eq3A_452 = arith.cmpi eq, %jit3A_450, %eq3A_451 : i32
      %jit3A_453 = arith.constant 1 : i32
      %select_n3A_454 = arith.select %eq3A_452, %jit3A_453, %jit3A_450 : i32
      %rem3A_455 = arith.remsi %select_n3A_449, %select_n3A_454 : i32
      %ne3A_456 = arith.constant 0 : i32
      %ne3A_457 = arith.cmpi ne, %rem3A_455, %ne3A_456 : i32
      %lt3A_458 = arith.constant 0 : i32
      %lt3A_459 = arith.cmpi slt, %rem3A_455, %lt3A_458 : i32
      %lt3A_460 = arith.constant 0 : i32
      %lt3A_461 = arith.cmpi slt, %select_n3A_454, %lt3A_460 : i32
      %ne3A_462 = arith.xori %lt3A_459, %lt3A_461 : i1
      %and3A_463 = arith.andi %ne3A_462, %ne3A_457 : i1
      %add3A_464 = arith.addi %rem3A_455, %select_n3A_454 : i32
      %select_n3A_465 = arith.select %and3A_463, %add3A_464, %rem3A_455 : i32
      %jit3A_466 = arith.constant 40 : i32
      %eq3A_467 = arith.constant 0 : i32
      %eq3A_468 = arith.cmpi eq, %jit3A_466, %eq3A_467 : i32
      %jit3A_469 = arith.constant 1 : i32
      %select_n3A_470 = arith.select %eq3A_468, %jit3A_469, %jit3A_466 : i32
      %rem3A_471 = arith.remsi %add3A_359, %select_n3A_470 : i32
      %ne3A_472 = arith.constant 0 : i32
      %ne3A_473 = arith.cmpi ne, %rem3A_471, %ne3A_472 : i32
      %lt3A_474 = arith.constant 0 : i32
      %lt3A_475 = arith.cmpi slt, %rem3A_471, %lt3A_474 : i32
      %lt3A_476 = arith.constant 0 : i32
      %lt3A_477 = arith.cmpi slt, %select_n3A_470, %lt3A_476 : i32
      %ne3A_478 = arith.xori %lt3A_475, %lt3A_477 : i1
      %and3A_479 = arith.andi %ne3A_478, %ne3A_473 : i1
      %add3A_480 = arith.addi %rem3A_471, %select_n3A_470 : i32
      %select_n3A_481 = arith.select %and3A_479, %add3A_480, %rem3A_471 : i32
      %dma_start3A_482 = arith.constant 0 : i32
      %dma_start3A_483 = tpu.memref_slice %arg7[%select_n3A_465, %select_n3A_481, %dma_start3A_482] : memref<2x40x128xi32, #tpu.memory_space<vmem>> -> memref<1x1x128xi32, #tpu.memory_space<vmem>>
      %dma_start3A_484 = tpu.memref_squeeze %dma_start3A_483 : memref<1x1x128xi32, #tpu.memory_space<vmem>> -> memref<128xi32, #tpu.memory_space<vmem>>
      %dma_start3A_485 = arith.constant 0 : i32
      %dma_start3A_486 = arith.constant 0 : i32
      %dma_start3A_487 = tpu.memref_slice %arg13[%dma_start3A_485, %dma_start3A_486] : memref<2048x128xf32, #tpu.memory_space<vmem_shared>> -> memref<2048x128xf32, #tpu.memory_space<vmem_shared>>
      tpu.enqueue_indirect_dma source(%arg9 : memref<128x128xf32, #tpu.memory_space<vmem>>) target(%dma_start3A_487 : memref<2048x128xf32, #tpu.memory_space<vmem_shared>>) offsets(%dma_start3A_484 : memref<128xi32, #tpu.memory_space<vmem>>) semaphore(%arg19 : memref<!tpu.dma_semaphore, #tpu.memory_space<semaphore_mem>>) {add = true}
      %lt3A_488 = arith.constant 200 : i32
      %lt3A_489 = arith.cmpi slt, %sub3A_425, %lt3A_488 : i32
      %convert_element_type3A_490 = arith.extui %lt3A_489 : i1 to i32
      %cond3A_491 = arith.constant 0 : i32
      %cond3A_492 = arith.cmpi ne, %convert_element_type3A_490, %cond3A_491 : i32
      scf.if %cond3A_492 {
        %ge3A = arith.constant 2 : i32
        %ge3A_976 = arith.cmpi sge, %add3A_359, %ge3A : i32
        %convert_element_type3A_977 = arith.extui %ge3A_976 : i1 to i32
        %cond3A_978 = arith.constant 0 : i32
        %cond3A_979 = arith.cmpi ne, %convert_element_type3A_977, %cond3A_978 : i32
        scf.if %cond3A_979 {
          %sub3A_1042 = arith.constant 2 : i32
          %sub3A_1043 = arith.subi %add3A_359, %sub3A_1042 : i32
          %jit3A_1044 = arith.constant 40 : i32
          %div3A_1045 = arith.divsi %sub3A_1043, %jit3A_1044 : i32
          %sign3A_1046 = arith.constant 0 : i32
          %sign3A_1047 = arith.cmpi sgt, %sub3A_1043, %sign3A_1046 : i32
          %sign3A_1048 = arith.extui %sign3A_1047 : i1 to i32
          %sign3A_1049 = arith.constant 0 : i32
          %sign3A_1050 = arith.cmpi slt, %sub3A_1043, %sign3A_1049 : i32
          %sign3A_1051 = arith.extui %sign3A_1050 : i1 to i32
          %sign3A_1052 = arith.subi %sign3A_1048, %sign3A_1051 : i32
          %sign3A_1053 = arith.constant 0 : i32
          %sign3A_1054 = arith.cmpi sgt, %jit3A_1044, %sign3A_1053 : i32
          %sign3A_1055 = arith.extui %sign3A_1054 : i1 to i32
          %sign3A_1056 = arith.constant 0 : i32
          %sign3A_1057 = arith.cmpi slt, %jit3A_1044, %sign3A_1056 : i32
          %sign3A_1058 = arith.extui %sign3A_1057 : i1 to i32
          %sign3A_1059 = arith.subi %sign3A_1055, %sign3A_1058 : i32
          %ne3A_1060 = arith.cmpi ne, %sign3A_1052, %sign3A_1059 : i32
          %rem3A_1061 = arith.remsi %sub3A_1043, %jit3A_1044 : i32
          %ne3A_1062 = arith.constant 0 : i32
          %ne3A_1063 = arith.cmpi ne, %rem3A_1061, %ne3A_1062 : i32
          %and3A_1064 = arith.andi %ne3A_1060, %ne3A_1063 : i1
          %sub3A_1065 = arith.constant 1 : i32
          %sub3A_1066 = arith.subi %div3A_1045, %sub3A_1065 : i32
          %select_n3A_1067 = arith.select %and3A_1064, %sub3A_1066, %div3A_1045 : i32
          %jit3A_1068 = arith.constant 2 : i32
          %eq3A_1069 = arith.constant 0 : i32
          %eq3A_1070 = arith.cmpi eq, %jit3A_1068, %eq3A_1069 : i32
          %jit3A_1071 = arith.constant 1 : i32
          %select_n3A_1072 = arith.select %eq3A_1070, %jit3A_1071, %jit3A_1068 : i32
          %rem3A_1073 = arith.remsi %select_n3A_1067, %select_n3A_1072 : i32
          %ne3A_1074 = arith.constant 0 : i32
          %ne3A_1075 = arith.cmpi ne, %rem3A_1073, %ne3A_1074 : i32
          %lt3A_1076 = arith.constant 0 : i32
          %lt3A_1077 = arith.cmpi slt, %rem3A_1073, %lt3A_1076 : i32
          %lt3A_1078 = arith.constant 0 : i32
          %lt3A_1079 = arith.cmpi slt, %select_n3A_1072, %lt3A_1078 : i32
          %ne3A_1080 = arith.xori %lt3A_1077, %lt3A_1079 : i1
          %and3A_1081 = arith.andi %ne3A_1080, %ne3A_1075 : i1
          %add3A_1082 = arith.addi %rem3A_1073, %select_n3A_1072 : i32
          %select_n3A_1083 = arith.select %and3A_1081, %add3A_1082, %rem3A_1073 : i32
          %jit3A_1084 = arith.constant 40 : i32
          %eq3A_1085 = arith.constant 0 : i32
          %eq3A_1086 = arith.cmpi eq, %jit3A_1084, %eq3A_1085 : i32
          %jit3A_1087 = arith.constant 1 : i32
          %select_n3A_1088 = arith.select %eq3A_1086, %jit3A_1087, %jit3A_1084 : i32
          %rem3A_1089 = arith.remsi %sub3A_1043, %select_n3A_1088 : i32
          %ne3A_1090 = arith.constant 0 : i32
          %ne3A_1091 = arith.cmpi ne, %rem3A_1089, %ne3A_1090 : i32
          %lt3A_1092 = arith.constant 0 : i32
          %lt3A_1093 = arith.cmpi slt, %rem3A_1089, %lt3A_1092 : i32
          %lt3A_1094 = arith.constant 0 : i32
          %lt3A_1095 = arith.cmpi slt, %select_n3A_1088, %lt3A_1094 : i32
          %ne3A_1096 = arith.xori %lt3A_1093, %lt3A_1095 : i1
          %and3A_1097 = arith.andi %ne3A_1096, %ne3A_1091 : i1
          %add3A_1098 = arith.addi %rem3A_1089, %select_n3A_1088 : i32
          %select_n3A_1099 = arith.select %and3A_1097, %add3A_1098, %rem3A_1089 : i32
          %dma_wait3A_1100 = arith.constant 0 : i32
          %dma_wait3A_1101 = tpu.memref_slice %arg7[%select_n3A_1083, %select_n3A_1099, %dma_wait3A_1100] : memref<2x40x128xi32, #tpu.memory_space<vmem>> -> memref<1x1x128xi32, #tpu.memory_space<vmem>>
          %dma_wait3A_1102 = tpu.memref_squeeze %dma_wait3A_1101 : memref<1x1x128xi32, #tpu.memory_space<vmem>> -> memref<128xi32, #tpu.memory_space<vmem>>
          %dma_wait3A_1103 = arith.constant 0 : i32
          %dma_wait3A_1104 = arith.constant 0 : i32
          %dma_wait3A_1105 = tpu.memref_slice %arg13[%dma_wait3A_1103, %dma_wait3A_1104] : memref<2048x128xf32, #tpu.memory_space<vmem_shared>> -> memref<2048x128xf32, #tpu.memory_space<vmem_shared>>
          tpu.wait_indirect_dma semaphore(%arg21 : memref<!tpu.dma_semaphore, #tpu.memory_space<semaphore_mem>>) src(%arg11 : memref<128x128xf32, #tpu.memory_space<vmem>>) dst(%dma_wait3A_1105 : memref<2048x128xf32, #tpu.memory_space<vmem_shared>>)
        } else {
        }
        %jit3A_980 = arith.constant 40 : i32
        %div3A_981 = arith.divsi %sub3A_425, %jit3A_980 : i32
        %sign3A_982 = arith.constant 0 : i32
        %sign3A_983 = arith.cmpi sgt, %sub3A_425, %sign3A_982 : i32
        %sign3A_984 = arith.extui %sign3A_983 : i1 to i32
        %sign3A_985 = arith.constant 0 : i32
        %sign3A_986 = arith.cmpi slt, %sub3A_425, %sign3A_985 : i32
        %sign3A_987 = arith.extui %sign3A_986 : i1 to i32
        %sign3A_988 = arith.subi %sign3A_984, %sign3A_987 : i32
        %sign3A_989 = arith.constant 0 : i32
        %sign3A_990 = arith.cmpi sgt, %jit3A_980, %sign3A_989 : i32
        %sign3A_991 = arith.extui %sign3A_990 : i1 to i32
        %sign3A_992 = arith.constant 0 : i32
        %sign3A_993 = arith.cmpi slt, %jit3A_980, %sign3A_992 : i32
        %sign3A_994 = arith.extui %sign3A_993 : i1 to i32
        %sign3A_995 = arith.subi %sign3A_991, %sign3A_994 : i32
        %ne3A_996 = arith.cmpi ne, %sign3A_988, %sign3A_995 : i32
        %rem3A_997 = arith.remsi %sub3A_425, %jit3A_980 : i32
        %ne3A_998 = arith.constant 0 : i32
        %ne3A_999 = arith.cmpi ne, %rem3A_997, %ne3A_998 : i32
        %and3A_1000 = arith.andi %ne3A_996, %ne3A_999 : i1
        %sub3A_1001 = arith.constant 1 : i32
        %sub3A_1002 = arith.subi %div3A_981, %sub3A_1001 : i32
        %select_n3A_1003 = arith.select %and3A_1000, %sub3A_1002, %div3A_981 : i32
        %jit3A_1004 = arith.constant 2 : i32
        %eq3A_1005 = arith.constant 0 : i32
        %eq3A_1006 = arith.cmpi eq, %jit3A_1004, %eq3A_1005 : i32
        %jit3A_1007 = arith.constant 1 : i32
        %select_n3A_1008 = arith.select %eq3A_1006, %jit3A_1007, %jit3A_1004 : i32
        %rem3A_1009 = arith.remsi %select_n3A_1003, %select_n3A_1008 : i32
        %ne3A_1010 = arith.constant 0 : i32
        %ne3A_1011 = arith.cmpi ne, %rem3A_1009, %ne3A_1010 : i32
        %lt3A_1012 = arith.constant 0 : i32
        %lt3A_1013 = arith.cmpi slt, %rem3A_1009, %lt3A_1012 : i32
        %lt3A_1014 = arith.constant 0 : i32
        %lt3A_1015 = arith.cmpi slt, %select_n3A_1008, %lt3A_1014 : i32
        %ne3A_1016 = arith.xori %lt3A_1013, %lt3A_1015 : i1
        %and3A_1017 = arith.andi %ne3A_1016, %ne3A_1011 : i1
        %add3A_1018 = arith.addi %rem3A_1009, %select_n3A_1008 : i32
        %select_n3A_1019 = arith.select %and3A_1017, %add3A_1018, %rem3A_1009 : i32
        %jit3A_1020 = arith.constant 40 : i32
        %eq3A_1021 = arith.constant 0 : i32
        %eq3A_1022 = arith.cmpi eq, %jit3A_1020, %eq3A_1021 : i32
        %jit3A_1023 = arith.constant 1 : i32
        %select_n3A_1024 = arith.select %eq3A_1022, %jit3A_1023, %jit3A_1020 : i32
        %rem3A_1025 = arith.remsi %sub3A_425, %select_n3A_1024 : i32
        %ne3A_1026 = arith.constant 0 : i32
        %ne3A_1027 = arith.cmpi ne, %rem3A_1025, %ne3A_1026 : i32
        %lt3A_1028 = arith.constant 0 : i32
        %lt3A_1029 = arith.cmpi slt, %rem3A_1025, %lt3A_1028 : i32
        %lt3A_1030 = arith.constant 0 : i32
        %lt3A_1031 = arith.cmpi slt, %select_n3A_1024, %lt3A_1030 : i32
        %ne3A_1032 = arith.xori %lt3A_1029, %lt3A_1031 : i1
        %and3A_1033 = arith.andi %ne3A_1032, %ne3A_1027 : i1
        %add3A_1034 = arith.addi %rem3A_1025, %select_n3A_1024 : i32
        %select_n3A_1035 = arith.select %and3A_1033, %add3A_1034, %rem3A_1025 : i32
        %dma_start3A_1036 = arith.constant 0 : i32
        %dma_start3A_1037 = tpu.memref_slice %arg6[%select_n3A_1019, %select_n3A_1035, %dma_start3A_1036] : memref<2x40x128xi32, #tpu.memory_space<vmem>> -> memref<1x1x128xi32, #tpu.memory_space<vmem>>
        %dma_start3A_1038 = tpu.memref_squeeze %dma_start3A_1037 : memref<1x1x128xi32, #tpu.memory_space<vmem>> -> memref<128xi32, #tpu.memory_space<vmem>>
        %dma_start3A_1039 = arith.constant 0 : i32
        %dma_start3A_1040 = arith.constant 0 : i32
        %dma_start3A_1041 = tpu.memref_slice %arg4[%dma_start3A_1039, %dma_start3A_1040] : memref<100000x128xf32, #tpu.memory_space<hbm>> -> memref<100000x128xf32, #tpu.memory_space<hbm>>
        tpu.enqueue_indirect_dma source(%dma_start3A_1041 : memref<100000x128xf32, #tpu.memory_space<hbm>>) target(%arg11 : memref<128x128xf32, #tpu.memory_space<vmem>>) offsets(%dma_start3A_1038 : memref<128xi32, #tpu.memory_space<vmem>>) semaphore(%arg17 : memref<!tpu.dma_semaphore, #tpu.memory_space<semaphore_mem>>)
      } else {
      }
      %add3A_493 = arith.constant 2 : i32
      %add3A_494 = arith.addi %add3A_50, %add3A_493 : i32
      %jit3A_495 = arith.constant 40 : i32
      %div3A_496 = arith.divsi %add3A_494, %jit3A_495 : i32
      %sign3A_497 = arith.constant 0 : i32
      %sign3A_498 = arith.cmpi sgt, %add3A_494, %sign3A_497 : i32
      %sign3A_499 = arith.extui %sign3A_498 : i1 to i32
      %sign3A_500 = arith.constant 0 : i32
      %sign3A_501 = arith.cmpi slt, %add3A_494, %sign3A_500 : i32
      %sign3A_502 = arith.extui %sign3A_501 : i1 to i32
      %sign3A_503 = arith.subi %sign3A_499, %sign3A_502 : i32
      %sign3A_504 = arith.constant 0 : i32
      %sign3A_505 = arith.cmpi sgt, %jit3A_495, %sign3A_504 : i32
      %sign3A_506 = arith.extui %sign3A_505 : i1 to i32
      %sign3A_507 = arith.constant 0 : i32
      %sign3A_508 = arith.cmpi slt, %jit3A_495, %sign3A_507 : i32
      %sign3A_509 = arith.extui %sign3A_508 : i1 to i32
      %sign3A_510 = arith.subi %sign3A_506, %sign3A_509 : i32
      %ne3A_511 = arith.cmpi ne, %sign3A_503, %sign3A_510 : i32
      %rem3A_512 = arith.remsi %add3A_494, %jit3A_495 : i32
      %ne3A_513 = arith.constant 0 : i32
      %ne3A_514 = arith.cmpi ne, %rem3A_512, %ne3A_513 : i32
      %and3A_515 = arith.andi %ne3A_511, %ne3A_514 : i1
      %sub3A_516 = arith.constant 1 : i32
      %sub3A_517 = arith.subi %div3A_496, %sub3A_516 : i32
      %select_n3A_518 = arith.select %and3A_515, %sub3A_517, %div3A_496 : i32
      %jit3A_519 = arith.constant 40 : i32
      %eq3A_520 = arith.constant 0 : i32
      %eq3A_521 = arith.cmpi eq, %jit3A_519, %eq3A_520 : i32
      %jit3A_522 = arith.constant 1 : i32
      %select_n3A_523 = arith.select %eq3A_521, %jit3A_522, %jit3A_519 : i32
      %rem3A_524 = arith.remsi %add3A_494, %select_n3A_523 : i32
      %ne3A_525 = arith.constant 0 : i32
      %ne3A_526 = arith.cmpi ne, %rem3A_524, %ne3A_525 : i32
      %lt3A_527 = arith.constant 0 : i32
      %lt3A_528 = arith.cmpi slt, %rem3A_524, %lt3A_527 : i32
      %lt3A_529 = arith.constant 0 : i32
      %lt3A_530 = arith.cmpi slt, %select_n3A_523, %lt3A_529 : i32
      %ne3A_531 = arith.xori %lt3A_528, %lt3A_530 : i1
      %and3A_532 = arith.andi %ne3A_531, %ne3A_526 : i1
      %add3A_533 = arith.addi %rem3A_524, %select_n3A_523 : i32
      %select_n3A_534 = arith.select %and3A_532, %add3A_533, %rem3A_524 : i32
      %eq3A_535 = arith.constant 2 : i32
      %eq3A_536 = arith.cmpi eq, %select_n3A_534, %eq3A_535 : i32
      %lt3A_537 = arith.constant 160 : i32
      %lt3A_538 = arith.cmpi slt, %add3A_494, %lt3A_537 : i32
      %and3A_539 = arith.andi %eq3A_536, %lt3A_538 : i1
      %convert_element_type3A_540 = arith.extui %and3A_539 : i1 to i32
      %cond3A_541 = arith.constant 0 : i32
      %cond3A_542 = arith.cmpi ne, %convert_element_type3A_540, %cond3A_541 : i32
      scf.if %cond3A_542 {
        %add3A_976 = arith.constant 1 : i32
        %add3A_977 = arith.addi %select_n3A_518, %add3A_976 : i32
        %add3A_978 = arith.constant 1 : i32
        %add3A_979 = arith.addi %select_n3A_518, %add3A_978 : i32
        %jit3A_980 = arith.constant 2 : i32
        %eq3A_981 = arith.constant 0 : i32
        %eq3A_982 = arith.cmpi eq, %jit3A_980, %eq3A_981 : i32
        %jit3A_983 = arith.constant 1 : i32
        %select_n3A_984 = arith.select %eq3A_982, %jit3A_983, %jit3A_980 : i32
        %rem3A_985 = arith.remsi %add3A_979, %select_n3A_984 : i32
        %ne3A_986 = arith.constant 0 : i32
        %ne3A_987 = arith.cmpi ne, %rem3A_985, %ne3A_986 : i32
        %lt3A_988 = arith.constant 0 : i32
        %lt3A_989 = arith.cmpi slt, %rem3A_985, %lt3A_988 : i32
        %lt3A_990 = arith.constant 0 : i32
        %lt3A_991 = arith.cmpi slt, %select_n3A_984, %lt3A_990 : i32
        %ne3A_992 = arith.xori %lt3A_989, %lt3A_991 : i1
        %and3A_993 = arith.andi %ne3A_992, %ne3A_987 : i1
        %add3A_994 = arith.addi %rem3A_985, %select_n3A_984 : i32
        %select_n3A_995 = arith.select %and3A_993, %add3A_994, %rem3A_985 : i32
        %dma_start3A_996 = arith.constant 0 : i32
        %dma_start3A_997 = arith.constant 0 : i32
        %dma_start3A_998 = tpu.memref_slice %arg6[%select_n3A_995, %dma_start3A_996, %dma_start3A_997] : memref<2x40x128xi32, #tpu.memory_space<vmem>> -> memref<1x40x128xi32, #tpu.memory_space<vmem>>
        %dma_start3A_999 = tpu.memref_squeeze %dma_start3A_998 : memref<1x40x128xi32, #tpu.memory_space<vmem>> -> memref<40x128xi32, #tpu.memory_space<vmem>>
        %dma_start3A_1000 = arith.constant 0 : i32
        %dma_start3A_1001 = arith.constant 0 : i32
        %dma_start3A_1002 = tpu.memref_slice %arg2[%add3A, %add3A_977, %dma_start3A_1000, %dma_start3A_1001] : memref<32x5x40x128xi32, #tpu.memory_space<hbm>> -> memref<1x1x40x128xi32, #tpu.memory_space<hbm>>
        %dma_start3A_1003 = tpu.memref_squeeze %dma_start3A_1002 : memref<1x1x40x128xi32, #tpu.memory_space<hbm>> -> memref<40x128xi32, #tpu.memory_space<hbm>>
        %dma_start3A_1004 = arith.constant 0 : i32
        %dma_start3A_1005 = arith.constant 0 : i32
        %dma_start3A_1006 = tpu.memref_slice %arg6[%select_n3A_995, %dma_start3A_1004, %dma_start3A_1005] : memref<2x40x128xi32, #tpu.memory_space<vmem>> -> memref<1x40x128xi32, #tpu.memory_space<vmem>>
        %dma_start3A_1007 = tpu.memref_squeeze %dma_start3A_1006 : memref<1x40x128xi32, #tpu.memory_space<vmem>> -> memref<40x128xi32, #tpu.memory_space<vmem>>
        %dma_start3A_1008 = arith.constant 0 : i32
        %dma_start3A_1009 = arith.constant 0 : i32
        %dma_start3A_1010 = tpu.memref_slice %arg2[%add3A, %add3A_977, %dma_start3A_1008, %dma_start3A_1009] : memref<32x5x40x128xi32, #tpu.memory_space<hbm>> -> memref<1x1x40x128xi32, #tpu.memory_space<hbm>>
        %dma_start3A_1011 = tpu.memref_squeeze %dma_start3A_1010 : memref<1x1x40x128xi32, #tpu.memory_space<hbm>> -> memref<40x128xi32, #tpu.memory_space<hbm>>
        tpu.enqueue_dma source(%dma_start3A_1011 : memref<40x128xi32, #tpu.memory_space<hbm>>) target(%dma_start3A_1007 : memref<40x128xi32, #tpu.memory_space<vmem>>) target_semaphore(%arg22 : memref<!tpu.dma_semaphore, #tpu.memory_space<semaphore_mem>>)
        %add3A_1012 = arith.constant 1 : i32
        %add3A_1013 = arith.addi %select_n3A_518, %add3A_1012 : i32
        %add3A_1014 = arith.constant 1 : i32
        %add3A_1015 = arith.addi %select_n3A_518, %add3A_1014 : i32
        %jit3A_1016 = arith.constant 2 : i32
        %eq3A_1017 = arith.constant 0 : i32
        %eq3A_1018 = arith.cmpi eq, %jit3A_1016, %eq3A_1017 : i32
        %jit3A_1019 = arith.constant 1 : i32
        %select_n3A_1020 = arith.select %eq3A_1018, %jit3A_1019, %jit3A_1016 : i32
        %rem3A_1021 = arith.remsi %add3A_1015, %select_n3A_1020 : i32
        %ne3A_1022 = arith.constant 0 : i32
        %ne3A_1023 = arith.cmpi ne, %rem3A_1021, %ne3A_1022 : i32
        %lt3A_1024 = arith.constant 0 : i32
        %lt3A_1025 = arith.cmpi slt, %rem3A_1021, %lt3A_1024 : i32
        %lt3A_1026 = arith.constant 0 : i32
        %lt3A_1027 = arith.cmpi slt, %select_n3A_1020, %lt3A_1026 : i32
        %ne3A_1028 = arith.xori %lt3A_1025, %lt3A_1027 : i1
        %and3A_1029 = arith.andi %ne3A_1028, %ne3A_1023 : i1
        %add3A_1030 = arith.addi %rem3A_1021, %select_n3A_1020 : i32
        %select_n3A_1031 = arith.select %and3A_1029, %add3A_1030, %rem3A_1021 : i32
        %dma_start3A_1032 = arith.constant 0 : i32
        %dma_start3A_1033 = arith.constant 0 : i32
        %dma_start3A_1034 = tpu.memref_slice %arg7[%select_n3A_1031, %dma_start3A_1032, %dma_start3A_1033] : memref<2x40x128xi32, #tpu.memory_space<vmem>> -> memref<1x40x128xi32, #tpu.memory_space<vmem>>
        %dma_start3A_1035 = tpu.memref_squeeze %dma_start3A_1034 : memref<1x40x128xi32, #tpu.memory_space<vmem>> -> memref<40x128xi32, #tpu.memory_space<vmem>>
        %dma_start3A_1036 = arith.constant 0 : i32
        %dma_start3A_1037 = arith.constant 0 : i32
        %dma_start3A_1038 = tpu.memref_slice %arg3[%arg1, %add3A_1013, %dma_start3A_1036, %dma_start3A_1037] : memref<16x5x40x128xi32, #tpu.memory_space<hbm>> -> memref<1x1x40x128xi32, #tpu.memory_space<hbm>>
        %dma_start3A_1039 = tpu.memref_squeeze %dma_start3A_1038 : memref<1x1x40x128xi32, #tpu.memory_space<hbm>> -> memref<40x128xi32, #tpu.memory_space<hbm>>
        %dma_start3A_1040 = arith.constant 0 : i32
        %dma_start3A_1041 = arith.constant 0 : i32
        %dma_start3A_1042 = tpu.memref_slice %arg7[%select_n3A_1031, %dma_start3A_1040, %dma_start3A_1041] : memref<2x40x128xi32, #tpu.memory_space<vmem>> -> memref<1x40x128xi32, #tpu.memory_space<vmem>>
        %dma_start3A_1043 = tpu.memref_squeeze %dma_start3A_1042 : memref<1x40x128xi32, #tpu.memory_space<vmem>> -> memref<40x128xi32, #tpu.memory_space<vmem>>
        %dma_start3A_1044 = arith.constant 0 : i32
        %dma_start3A_1045 = arith.constant 0 : i32
        %dma_start3A_1046 = tpu.memref_slice %arg3[%arg1, %add3A_1013, %dma_start3A_1044, %dma_start3A_1045] : memref<16x5x40x128xi32, #tpu.memory_space<hbm>> -> memref<1x1x40x128xi32, #tpu.memory_space<hbm>>
        %dma_start3A_1047 = tpu.memref_squeeze %dma_start3A_1046 : memref<1x1x40x128xi32, #tpu.memory_space<hbm>> -> memref<40x128xi32, #tpu.memory_space<hbm>>
        tpu.enqueue_dma source(%dma_start3A_1047 : memref<40x128xi32, #tpu.memory_space<hbm>>) target(%dma_start3A_1043 : memref<40x128xi32, #tpu.memory_space<vmem>>) target_semaphore(%arg22 : memref<!tpu.dma_semaphore, #tpu.memory_space<semaphore_mem>>)
      } else {
      }
      %jit3A_543 = arith.constant 40 : i32
      %div3A_544 = arith.divsi %add3A_494, %jit3A_543 : i32
      %sign3A_545 = arith.constant 0 : i32
      %sign3A_546 = arith.cmpi sgt, %add3A_494, %sign3A_545 : i32
      %sign3A_547 = arith.extui %sign3A_546 : i1 to i32
      %sign3A_548 = arith.constant 0 : i32
      %sign3A_549 = arith.cmpi slt, %add3A_494, %sign3A_548 : i32
      %sign3A_550 = arith.extui %sign3A_549 : i1 to i32
      %sign3A_551 = arith.subi %sign3A_547, %sign3A_550 : i32
      %sign3A_552 = arith.constant 0 : i32
      %sign3A_553 = arith.cmpi sgt, %jit3A_543, %sign3A_552 : i32
      %sign3A_554 = arith.extui %sign3A_553 : i1 to i32
      %sign3A_555 = arith.constant 0 : i32
      %sign3A_556 = arith.cmpi slt, %jit3A_543, %sign3A_555 : i32
      %sign3A_557 = arith.extui %sign3A_556 : i1 to i32
      %sign3A_558 = arith.subi %sign3A_554, %sign3A_557 : i32
      %ne3A_559 = arith.cmpi ne, %sign3A_551, %sign3A_558 : i32
      %rem3A_560 = arith.remsi %add3A_494, %jit3A_543 : i32
      %ne3A_561 = arith.constant 0 : i32
      %ne3A_562 = arith.cmpi ne, %rem3A_560, %ne3A_561 : i32
      %and3A_563 = arith.andi %ne3A_559, %ne3A_562 : i1
      %sub3A_564 = arith.constant 1 : i32
      %sub3A_565 = arith.subi %div3A_544, %sub3A_564 : i32
      %select_n3A_566 = arith.select %and3A_563, %sub3A_565, %div3A_544 : i32
      %jit3A_567 = arith.constant 2 : i32
      %eq3A_568 = arith.constant 0 : i32
      %eq3A_569 = arith.cmpi eq, %jit3A_567, %eq3A_568 : i32
      %jit3A_570 = arith.constant 1 : i32
      %select_n3A_571 = arith.select %eq3A_569, %jit3A_570, %jit3A_567 : i32
      %rem3A_572 = arith.remsi %select_n3A_566, %select_n3A_571 : i32
      %ne3A_573 = arith.constant 0 : i32
      %ne3A_574 = arith.cmpi ne, %rem3A_572, %ne3A_573 : i32
      %lt3A_575 = arith.constant 0 : i32
      %lt3A_576 = arith.cmpi slt, %rem3A_572, %lt3A_575 : i32
      %lt3A_577 = arith.constant 0 : i32
      %lt3A_578 = arith.cmpi slt, %select_n3A_571, %lt3A_577 : i32
      %ne3A_579 = arith.xori %lt3A_576, %lt3A_578 : i1
      %and3A_580 = arith.andi %ne3A_579, %ne3A_574 : i1
      %add3A_581 = arith.addi %rem3A_572, %select_n3A_571 : i32
      %select_n3A_582 = arith.select %and3A_580, %add3A_581, %rem3A_572 : i32
      %jit3A_583 = arith.constant 40 : i32
      %eq3A_584 = arith.constant 0 : i32
      %eq3A_585 = arith.cmpi eq, %jit3A_583, %eq3A_584 : i32
      %jit3A_586 = arith.constant 1 : i32
      %select_n3A_587 = arith.select %eq3A_585, %jit3A_586, %jit3A_583 : i32
      %rem3A_588 = arith.remsi %add3A_494, %select_n3A_587 : i32
      %ne3A_589 = arith.constant 0 : i32
      %ne3A_590 = arith.cmpi ne, %rem3A_588, %ne3A_589 : i32
      %lt3A_591 = arith.constant 0 : i32
      %lt3A_592 = arith.cmpi slt, %rem3A_588, %lt3A_591 : i32
      %lt3A_593 = arith.constant 0 : i32
      %lt3A_594 = arith.cmpi slt, %select_n3A_587, %lt3A_593 : i32
      %ne3A_595 = arith.xori %lt3A_592, %lt3A_594 : i1
      %and3A_596 = arith.andi %ne3A_595, %ne3A_590 : i1
      %add3A_597 = arith.addi %rem3A_588, %select_n3A_587 : i32
      %select_n3A_598 = arith.select %and3A_596, %add3A_597, %rem3A_588 : i32
      %dma_wait3A_599 = arith.constant 0 : i32
      %dma_wait3A_600 = tpu.memref_slice %arg6[%select_n3A_582, %select_n3A_598, %dma_wait3A_599] : memref<2x40x128xi32, #tpu.memory_space<vmem>> -> memref<1x1x128xi32, #tpu.memory_space<vmem>>
      %dma_wait3A_601 = tpu.memref_squeeze %dma_wait3A_600 : memref<1x1x128xi32, #tpu.memory_space<vmem>> -> memref<128xi32, #tpu.memory_space<vmem>>
      %dma_wait3A_602 = arith.constant 0 : i32
      %dma_wait3A_603 = arith.constant 0 : i32
      %dma_wait3A_604 = tpu.memref_slice %arg4[%dma_wait3A_602, %dma_wait3A_603] : memref<100000x128xf32, #tpu.memory_space<hbm>> -> memref<100000x128xf32, #tpu.memory_space<hbm>>
      tpu.wait_indirect_dma semaphore(%arg16 : memref<!tpu.dma_semaphore, #tpu.memory_space<semaphore_mem>>) src(%dma_wait3A_604 : memref<100000x128xf32, #tpu.memory_space<hbm>>) dst(%arg10 : memref<128x128xf32, #tpu.memory_space<vmem>>)
      %add3A_605 = arith.constant 4 : i32
      %add3A_606 = arith.addi %add3A_494, %add3A_605 : i32
      %sub3A_607 = arith.constant 2 : i32
      %sub3A_608 = arith.subi %add3A_606, %sub3A_607 : i32
      %lt3A_609 = arith.constant 200 : i32
      %lt3A_610 = arith.cmpi slt, %sub3A_608, %lt3A_609 : i32
      %convert_element_type3A_611 = arith.extui %lt3A_610 : i1 to i32
      %cond3A_612 = arith.constant 0 : i32
      %cond3A_613 = arith.cmpi ne, %convert_element_type3A_611, %cond3A_612 : i32
      scf.if %cond3A_613 {
        %jit3A_976 = arith.constant 40 : i32
        %div3A_977 = arith.divsi %sub3A_608, %jit3A_976 : i32
        %sign3A_978 = arith.constant 0 : i32
        %sign3A_979 = arith.cmpi sgt, %sub3A_608, %sign3A_978 : i32
        %sign3A_980 = arith.extui %sign3A_979 : i1 to i32
        %sign3A_981 = arith.constant 0 : i32
        %sign3A_982 = arith.cmpi slt, %sub3A_608, %sign3A_981 : i32
        %sign3A_983 = arith.extui %sign3A_982 : i1 to i32
        %sign3A_984 = arith.subi %sign3A_980, %sign3A_983 : i32
        %sign3A_985 = arith.constant 0 : i32
        %sign3A_986 = arith.cmpi sgt, %jit3A_976, %sign3A_985 : i32
        %sign3A_987 = arith.extui %sign3A_986 : i1 to i32
        %sign3A_988 = arith.constant 0 : i32
        %sign3A_989 = arith.cmpi slt, %jit3A_976, %sign3A_988 : i32
        %sign3A_990 = arith.extui %sign3A_989 : i1 to i32
        %sign3A_991 = arith.subi %sign3A_987, %sign3A_990 : i32
        %ne3A_992 = arith.cmpi ne, %sign3A_984, %sign3A_991 : i32
        %rem3A_993 = arith.remsi %sub3A_608, %jit3A_976 : i32
        %ne3A_994 = arith.constant 0 : i32
        %ne3A_995 = arith.cmpi ne, %rem3A_993, %ne3A_994 : i32
        %and3A_996 = arith.andi %ne3A_992, %ne3A_995 : i1
        %sub3A_997 = arith.constant 1 : i32
        %sub3A_998 = arith.subi %div3A_977, %sub3A_997 : i32
        %select_n3A_999 = arith.select %and3A_996, %sub3A_998, %div3A_977 : i32
        %jit3A_1000 = arith.constant 2 : i32
        %eq3A_1001 = arith.constant 0 : i32
        %eq3A_1002 = arith.cmpi eq, %jit3A_1000, %eq3A_1001 : i32
        %jit3A_1003 = arith.constant 1 : i32
        %select_n3A_1004 = arith.select %eq3A_1002, %jit3A_1003, %jit3A_1000 : i32
        %rem3A_1005 = arith.remsi %select_n3A_999, %select_n3A_1004 : i32
        %ne3A_1006 = arith.constant 0 : i32
        %ne3A_1007 = arith.cmpi ne, %rem3A_1005, %ne3A_1006 : i32
        %lt3A_1008 = arith.constant 0 : i32
        %lt3A_1009 = arith.cmpi slt, %rem3A_1005, %lt3A_1008 : i32
        %lt3A_1010 = arith.constant 0 : i32
        %lt3A_1011 = arith.cmpi slt, %select_n3A_1004, %lt3A_1010 : i32
        %ne3A_1012 = arith.xori %lt3A_1009, %lt3A_1011 : i1
        %and3A_1013 = arith.andi %ne3A_1012, %ne3A_1007 : i1
        %add3A_1014 = arith.addi %rem3A_1005, %select_n3A_1004 : i32
        %select_n3A_1015 = arith.select %and3A_1013, %add3A_1014, %rem3A_1005 : i32
        %jit3A_1016 = arith.constant 40 : i32
        %eq3A_1017 = arith.constant 0 : i32
        %eq3A_1018 = arith.cmpi eq, %jit3A_1016, %eq3A_1017 : i32
        %jit3A_1019 = arith.constant 1 : i32
        %select_n3A_1020 = arith.select %eq3A_1018, %jit3A_1019, %jit3A_1016 : i32
        %rem3A_1021 = arith.remsi %sub3A_608, %select_n3A_1020 : i32
        %ne3A_1022 = arith.constant 0 : i32
        %ne3A_1023 = arith.cmpi ne, %rem3A_1021, %ne3A_1022 : i32
        %lt3A_1024 = arith.constant 0 : i32
        %lt3A_1025 = arith.cmpi slt, %rem3A_1021, %lt3A_1024 : i32
        %lt3A_1026 = arith.constant 0 : i32
        %lt3A_1027 = arith.cmpi slt, %select_n3A_1020, %lt3A_1026 : i32
        %ne3A_1028 = arith.xori %lt3A_1025, %lt3A_1027 : i1
        %and3A_1029 = arith.andi %ne3A_1028, %ne3A_1023 : i1
        %add3A_1030 = arith.addi %rem3A_1021, %select_n3A_1020 : i32
        %select_n3A_1031 = arith.select %and3A_1029, %add3A_1030, %rem3A_1021 : i32
        %dma_start3A_1032 = arith.constant 0 : i32
        %dma_start3A_1033 = tpu.memref_slice %arg6[%select_n3A_1015, %select_n3A_1031, %dma_start3A_1032] : memref<2x40x128xi32, #tpu.memory_space<vmem>> -> memref<1x1x128xi32, #tpu.memory_space<vmem>>
        %dma_start3A_1034 = tpu.memref_squeeze %dma_start3A_1033 : memref<1x1x128xi32, #tpu.memory_space<vmem>> -> memref<128xi32, #tpu.memory_space<vmem>>
        %dma_start3A_1035 = arith.constant 0 : i32
        %dma_start3A_1036 = arith.constant 0 : i32
        %dma_start3A_1037 = tpu.memref_slice %arg4[%dma_start3A_1035, %dma_start3A_1036] : memref<100000x128xf32, #tpu.memory_space<hbm>> -> memref<100000x128xf32, #tpu.memory_space<hbm>>
        tpu.enqueue_indirect_dma source(%dma_start3A_1037 : memref<100000x128xf32, #tpu.memory_space<hbm>>) target(%arg8 : memref<128x128xf32, #tpu.memory_space<vmem>>) offsets(%dma_start3A_1034 : memref<128xi32, #tpu.memory_space<vmem>>) semaphore(%arg14 : memref<!tpu.dma_semaphore, #tpu.memory_space<semaphore_mem>>)
      } else {
      }
      %mul3A_614 = arith.constant 128 : i32
      %mul3A_615 = arith.muli %add3A_494, %mul3A_614 : i32
      %jit3A_616 = arith.constant 200 : i32
      %div3A_617 = arith.divsi %mul3A_615, %jit3A_616 : i32
      %sign3A_618 = arith.constant 0 : i32
      %sign3A_619 = arith.cmpi sgt, %mul3A_615, %sign3A_618 : i32
      %sign3A_620 = arith.extui %sign3A_619 : i1 to i32
      %sign3A_621 = arith.constant 0 : i32
      %sign3A_622 = arith.cmpi slt, %mul3A_615, %sign3A_621 : i32
      %sign3A_623 = arith.extui %sign3A_622 : i1 to i32
      %sign3A_624 = arith.subi %sign3A_620, %sign3A_623 : i32
      %sign3A_625 = arith.constant 0 : i32
      %sign3A_626 = arith.cmpi sgt, %jit3A_616, %sign3A_625 : i32
      %sign3A_627 = arith.extui %sign3A_626 : i1 to i32
      %sign3A_628 = arith.constant 0 : i32
      %sign3A_629 = arith.cmpi slt, %jit3A_616, %sign3A_628 : i32
      %sign3A_630 = arith.extui %sign3A_629 : i1 to i32
      %sign3A_631 = arith.subi %sign3A_627, %sign3A_630 : i32
      %ne3A_632 = arith.cmpi ne, %sign3A_624, %sign3A_631 : i32
      %rem3A_633 = arith.remsi %mul3A_615, %jit3A_616 : i32
      %ne3A_634 = arith.constant 0 : i32
      %ne3A_635 = arith.cmpi ne, %rem3A_633, %ne3A_634 : i32
      %and3A_636 = arith.andi %ne3A_632, %ne3A_635 : i1
      %sub3A_637 = arith.constant 1 : i32
      %sub3A_638 = arith.subi %div3A_617, %sub3A_637 : i32
      %select_n3A_639 = arith.select %and3A_636, %sub3A_638, %div3A_617 : i32
      %add3A_640 = arith.constant 1 : i32
      %add3A_641 = arith.addi %select_n3A_639, %add3A_640 : i32
      %mul3A_642 = arith.constant 200 : i32
      %mul3A_643 = arith.muli %mul3A_642, %add3A_641 : i32
      %sub3A_644 = arith.subi %mul3A_643, %mul3A_615 : i32
      %min3A_645 = arith.constant 128 : i32
      %min3A_646 = arith.minsi %sub3A_644, %min3A_645 : i32
      %add3A_647 = arith.constant 128 : i32
      %add3A_648 = arith.addi %mul3A_615, %add3A_647 : i32
      %sub3A_649 = arith.constant 1 : i32
      %sub3A_650 = arith.subi %add3A_648, %sub3A_649 : i32
      %jit3A_651 = arith.constant 200 : i32
      %div3A_652 = arith.divsi %sub3A_650, %jit3A_651 : i32
      %sign3A_653 = arith.constant 0 : i32
      %sign3A_654 = arith.cmpi sgt, %sub3A_650, %sign3A_653 : i32
      %sign3A_655 = arith.extui %sign3A_654 : i1 to i32
      %sign3A_656 = arith.constant 0 : i32
      %sign3A_657 = arith.cmpi slt, %sub3A_650, %sign3A_656 : i32
      %sign3A_658 = arith.extui %sign3A_657 : i1 to i32
      %sign3A_659 = arith.subi %sign3A_655, %sign3A_658 : i32
      %sign3A_660 = arith.constant 0 : i32
      %sign3A_661 = arith.cmpi sgt, %jit3A_651, %sign3A_660 : i32
      %sign3A_662 = arith.extui %sign3A_661 : i1 to i32
      %sign3A_663 = arith.constant 0 : i32
      %sign3A_664 = arith.cmpi slt, %jit3A_651, %sign3A_663 : i32
      %sign3A_665 = arith.extui %sign3A_664 : i1 to i32
      %sign3A_666 = arith.subi %sign3A_662, %sign3A_665 : i32
      %ne3A_667 = arith.cmpi ne, %sign3A_659, %sign3A_666 : i32
      %rem3A_668 = arith.remsi %sub3A_650, %jit3A_651 : i32
      %ne3A_669 = arith.constant 0 : i32
      %ne3A_670 = arith.cmpi ne, %rem3A_668, %ne3A_669 : i32
      %and3A_671 = arith.andi %ne3A_667, %ne3A_670 : i1
      %sub3A_672 = arith.constant 1 : i32
      %sub3A_673 = arith.subi %div3A_652, %sub3A_672 : i32
      %select_n3A_674 = arith.select %and3A_671, %sub3A_673, %div3A_652 : i32
      %parallel_loop3A_675 = arith.constant 0 : i32
      %parallel_loop3A_676 = arith.constant 1 : i32
      %parallel_loop3A_677:8 = scf.for %parallel_loop3A_976 = %parallel_loop3A_675 to %min3A_646 step %parallel_loop3A_676 iter_args(%parallel_loop3A_977 = %broadcast_in_dim3A_4, %parallel_loop3A_978 = %broadcast_in_dim3A_4, %parallel_loop3A_979 = %broadcast_in_dim3A_4, %parallel_loop3A_980 = %broadcast_in_dim3A_4, %parallel_loop3A_981 = %broadcast_in_dim3A_4, %parallel_loop3A_982 = %broadcast_in_dim3A_4, %parallel_loop3A_983 = %broadcast_in_dim3A_4, %parallel_loop3A_984 = %broadcast_in_dim3A_4) -> (vector<16xf32>, vector<16xf32>, vector<16xf32>, vector<16xf32>, vector<16xf32>, vector<16xf32>, vector<16xf32>, vector<16xf32>)  : i32 {
        %parallel_loop3A_985 = arith.index_cast %parallel_loop3A_976 : i32 to index
        %parallel_loop3A_986 = arith.constant 0 : index
        %parallel_loop3A_987 = tpu.vector_load %arg10[%parallel_loop3A_985, %parallel_loop3A_986] {strides = array<i32>} : memref<128x128xf32, #tpu.memory_space<vmem>>, vector<1x16xf32>,
        %parallel_loop3A_988 = vector.shape_cast %parallel_loop3A_987 : vector<1x16xf32> to vector<16xf32>
        %parallel_loop3A_989 = arith.addf %parallel_loop3A_977, %parallel_loop3A_988 : vector<16xf32>
        %parallel_loop3A_990 = arith.index_cast %parallel_loop3A_976 : i32 to index
        %parallel_loop3A_991 = arith.constant 16 : index
        %parallel_loop3A_992 = tpu.vector_load %arg10[%parallel_loop3A_990, %parallel_loop3A_991] {strides = array<i32>} : memref<128x128xf32, #tpu.memory_space<vmem>>, vector<1x16xf32>,
        %parallel_loop3A_993 = vector.shape_cast %parallel_loop3A_992 : vector<1x16xf32> to vector<16xf32>
        %parallel_loop3A_994 = arith.addf %parallel_loop3A_978, %parallel_loop3A_993 : vector<16xf32>
        %parallel_loop3A_995 = arith.index_cast %parallel_loop3A_976 : i32 to index
        %parallel_loop3A_996 = arith.constant 32 : index
        %parallel_loop3A_997 = tpu.vector_load %arg10[%parallel_loop3A_995, %parallel_loop3A_996] {strides = array<i32>} : memref<128x128xf32, #tpu.memory_space<vmem>>, vector<1x16xf32>,
        %parallel_loop3A_998 = vector.shape_cast %parallel_loop3A_997 : vector<1x16xf32> to vector<16xf32>
        %parallel_loop3A_999 = arith.addf %parallel_loop3A_979, %parallel_loop3A_998 : vector<16xf32>
        %parallel_loop3A_1000 = arith.index_cast %parallel_loop3A_976 : i32 to index
        %parallel_loop3A_1001 = arith.constant 48 : index
        %parallel_loop3A_1002 = tpu.vector_load %arg10[%parallel_loop3A_1000, %parallel_loop3A_1001] {strides = array<i32>} : memref<128x128xf32, #tpu.memory_space<vmem>>, vector<1x16xf32>,
        %parallel_loop3A_1003 = vector.shape_cast %parallel_loop3A_1002 : vector<1x16xf32> to vector<16xf32>
        %parallel_loop3A_1004 = arith.addf %parallel_loop3A_980, %parallel_loop3A_1003 : vector<16xf32>
        %parallel_loop3A_1005 = arith.index_cast %parallel_loop3A_976 : i32 to index
        %parallel_loop3A_1006 = arith.constant 64 : index
        %parallel_loop3A_1007 = tpu.vector_load %arg10[%parallel_loop3A_1005, %parallel_loop3A_1006] {strides = array<i32>} : memref<128x128xf32, #tpu.memory_space<vmem>>, vector<1x16xf32>,
        %parallel_loop3A_1008 = vector.shape_cast %parallel_loop3A_1007 : vector<1x16xf32> to vector<16xf32>
        %parallel_loop3A_1009 = arith.addf %parallel_loop3A_981, %parallel_loop3A_1008 : vector<16xf32>
        %parallel_loop3A_1010 = arith.index_cast %parallel_loop3A_976 : i32 to index
        %parallel_loop3A_1011 = arith.constant 80 : index
        %parallel_loop3A_1012 = tpu.vector_load %arg10[%parallel_loop3A_1010, %parallel_loop3A_1011] {strides = array<i32>} : memref<128x128xf32, #tpu.memory_space<vmem>>, vector<1x16xf32>,
        %parallel_loop3A_1013 = vector.shape_cast %parallel_loop3A_1012 : vector<1x16xf32> to vector<16xf32>
        %parallel_loop3A_1014 = arith.addf %parallel_loop3A_982, %parallel_loop3A_1013 : vector<16xf32>
        %parallel_loop3A_1015 = arith.index_cast %parallel_loop3A_976 : i32 to index
        %parallel_loop3A_1016 = arith.constant 96 : index
        %parallel_loop3A_1017 = tpu.vector_load %arg10[%parallel_loop3A_1015, %parallel_loop3A_1016] {strides = array<i32>} : memref<128x128xf32, #tpu.memory_space<vmem>>, vector<1x16xf32>,
        %parallel_loop3A_1018 = vector.shape_cast %parallel_loop3A_1017 : vector<1x16xf32> to vector<16xf32>
        %parallel_loop3A_1019 = arith.addf %parallel_loop3A_983, %parallel_loop3A_1018 : vector<16xf32>
        %parallel_loop3A_1020 = arith.index_cast %parallel_loop3A_976 : i32 to index
        %parallel_loop3A_1021 = arith.constant 112 : index
        %parallel_loop3A_1022 = tpu.vector_load %arg10[%parallel_loop3A_1020, %parallel_loop3A_1021] {strides = array<i32>} : memref<128x128xf32, #tpu.memory_space<vmem>>, vector<1x16xf32>,
        %parallel_loop3A_1023 = vector.shape_cast %parallel_loop3A_1022 : vector<1x16xf32> to vector<16xf32>
        %parallel_loop3A_1024 = arith.addf %parallel_loop3A_984, %parallel_loop3A_1023 : vector<16xf32>
        scf.yield %parallel_loop3A_989, %parallel_loop3A_994, %parallel_loop3A_999, %parallel_loop3A_1004, %parallel_loop3A_1009, %parallel_loop3A_1014, %parallel_loop3A_1019, %parallel_loop3A_1024 : vector<16xf32>, vector<16xf32>, vector<16xf32>, vector<16xf32>, vector<16xf32>, vector<16xf32>, vector<16xf32>, vector<16xf32>
      } {sc.loop_unroll_factor = 1 : i64, sc.parallel_access}
      %get3A_678 = arith.index_cast %select_n3A_639 : i32 to index
      %get3A_679 = arith.constant 0 : index
      %get3A_680 = tpu.vector_load %arg12[%get3A_678, %get3A_679] {strides = array<i32>} : memref<128x128xf32, #tpu.memory_space<vmem>>, vector<1x16xf32>,
      %get3A_681 = vector.shape_cast %get3A_680 : vector<1x16xf32> to vector<16xf32>
      %add3A_682 = arith.addf %get3A_681, %parallel_loop3A_677#0 : vector<16xf32>
      %swap3A_683 = arith.index_cast %select_n3A_639 : i32 to index
      %swap3A_684 = arith.constant 0 : index
      %swap3A_685 = tpu.vector_load %arg12[%swap3A_683, %swap3A_684] {strides = array<i32>} : memref<128x128xf32, #tpu.memory_space<vmem>>, vector<1x16xf32>,
      %swap3A_686 = vector.shape_cast %swap3A_685 : vector<1x16xf32> to vector<16xf32>
      %swap3A_687 = vector.shape_cast %add3A_682 : vector<16xf32> to vector<1x16xf32>
      tpu.vector_store %arg12[%swap3A_683, %swap3A_684], %swap3A_687 {strides = array<i32>} : memref<128x128xf32, #tpu.memory_space<vmem>>, vector<1x16xf32>,
      %get3A_688 = arith.index_cast %select_n3A_639 : i32 to index
      %get3A_689 = arith.constant 16 : index
      %get3A_690 = tpu.vector_load %arg12[%get3A_688, %get3A_689] {strides = array<i32>} : memref<128x128xf32, #tpu.memory_space<vmem>>, vector<1x16xf32>,
      %get3A_691 = vector.shape_cast %get3A_690 : vector<1x16xf32> to vector<16xf32>
      %add3A_692 = arith.addf %get3A_691, %parallel_loop3A_677#1 : vector<16xf32>
      %swap3A_693 = arith.index_cast %select_n3A_639 : i32 to index
      %swap3A_694 = arith.constant 16 : index
      %swap3A_695 = tpu.vector_load %arg12[%swap3A_693, %swap3A_694] {strides = array<i32>} : memref<128x128xf32, #tpu.memory_space<vmem>>, vector<1x16xf32>,
      %swap3A_696 = vector.shape_cast %swap3A_695 : vector<1x16xf32> to vector<16xf32>
      %swap3A_697 = vector.shape_cast %add3A_692 : vector<16xf32> to vector<1x16xf32>
      tpu.vector_store %arg12[%swap3A_693, %swap3A_694], %swap3A_697 {strides = array<i32>} : memref<128x128xf32, #tpu.memory_space<vmem>>, vector<1x16xf32>,
      %get3A_698 = arith.index_cast %select_n3A_639 : i32 to index
      %get3A_699 = arith.constant 32 : index
      %get3A_700 = tpu.vector_load %arg12[%get3A_698, %get3A_699] {strides = array<i32>} : memref<128x128xf32, #tpu.memory_space<vmem>>, vector<1x16xf32>,
      %get3A_701 = vector.shape_cast %get3A_700 : vector<1x16xf32> to vector<16xf32>
      %add3A_702 = arith.addf %get3A_701, %parallel_loop3A_677#2 : vector<16xf32>
      %swap3A_703 = arith.index_cast %select_n3A_639 : i32 to index
      %swap3A_704 = arith.constant 32 : index
      %swap3A_705 = tpu.vector_load %arg12[%swap3A_703, %swap3A_704] {strides = array<i32>} : memref<128x128xf32, #tpu.memory_space<vmem>>, vector<1x16xf32>,
      %swap3A_706 = vector.shape_cast %swap3A_705 : vector<1x16xf32> to vector<16xf32>
      %swap3A_707 = vector.shape_cast %add3A_702 : vector<16xf32> to vector<1x16xf32>
      tpu.vector_store %arg12[%swap3A_703, %swap3A_704], %swap3A_707 {strides = array<i32>} : memref<128x128xf32, #tpu.memory_space<vmem>>, vector<1x16xf32>,
      %get3A_708 = arith.index_cast %select_n3A_639 : i32 to index
      %get3A_709 = arith.constant 48 : index
      %get3A_710 = tpu.vector_load %arg12[%get3A_708, %get3A_709] {strides = array<i32>} : memref<128x128xf32, #tpu.memory_space<vmem>>, vector<1x16xf32>,
      %get3A_711 = vector.shape_cast %get3A_710 : vector<1x16xf32> to vector<16xf32>
      %add3A_712 = arith.addf %get3A_711, %parallel_loop3A_677#3 : vector<16xf32>
      %swap3A_713 = arith.index_cast %select_n3A_639 : i32 to index
      %swap3A_714 = arith.constant 48 : index
      %swap3A_715 = tpu.vector_load %arg12[%swap3A_713, %swap3A_714] {strides = array<i32>} : memref<128x128xf32, #tpu.memory_space<vmem>>, vector<1x16xf32>,
      %swap3A_716 = vector.shape_cast %swap3A_715 : vector<1x16xf32> to vector<16xf32>
      %swap3A_717 = vector.shape_cast %add3A_712 : vector<16xf32> to vector<1x16xf32>
      tpu.vector_store %arg12[%swap3A_713, %swap3A_714], %swap3A_717 {strides = array<i32>} : memref<128x128xf32, #tpu.memory_space<vmem>>, vector<1x16xf32>,
      %get3A_718 = arith.index_cast %select_n3A_639 : i32 to index
      %get3A_719 = arith.constant 64 : index
      %get3A_720 = tpu.vector_load %arg12[%get3A_718, %get3A_719] {strides = array<i32>} : memref<128x128xf32, #tpu.memory_space<vmem>>, vector<1x16xf32>,
      %get3A_721 = vector.shape_cast %get3A_720 : vector<1x16xf32> to vector<16xf32>
      %add3A_722 = arith.addf %get3A_721, %parallel_loop3A_677#4 : vector<16xf32>
      %swap3A_723 = arith.index_cast %select_n3A_639 : i32 to index
      %swap3A_724 = arith.constant 64 : index
      %swap3A_725 = tpu.vector_load %arg12[%swap3A_723, %swap3A_724] {strides = array<i32>} : memref<128x128xf32, #tpu.memory_space<vmem>>, vector<1x16xf32>,
      %swap3A_726 = vector.shape_cast %swap3A_725 : vector<1x16xf32> to vector<16xf32>
      %swap3A_727 = vector.shape_cast %add3A_722 : vector<16xf32> to vector<1x16xf32>
      tpu.vector_store %arg12[%swap3A_723, %swap3A_724], %swap3A_727 {strides = array<i32>} : memref<128x128xf32, #tpu.memory_space<vmem>>, vector<1x16xf32>,
      %get3A_728 = arith.index_cast %select_n3A_639 : i32 to index
      %get3A_729 = arith.constant 80 : index
      %get3A_730 = tpu.vector_load %arg12[%get3A_728, %get3A_729] {strides = array<i32>} : memref<128x128xf32, #tpu.memory_space<vmem>>, vector<1x16xf32>,
      %get3A_731 = vector.shape_cast %get3A_730 : vector<1x16xf32> to vector<16xf32>
      %add3A_732 = arith.addf %get3A_731, %parallel_loop3A_677#5 : vector<16xf32>
      %swap3A_733 = arith.index_cast %select_n3A_639 : i32 to index
      %swap3A_734 = arith.constant 80 : index
      %swap3A_735 = tpu.vector_load %arg12[%swap3A_733, %swap3A_734] {strides = array<i32>} : memref<128x128xf32, #tpu.memory_space<vmem>>, vector<1x16xf32>,
      %swap3A_736 = vector.shape_cast %swap3A_735 : vector<1x16xf32> to vector<16xf32>
      %swap3A_737 = vector.shape_cast %add3A_732 : vector<16xf32> to vector<1x16xf32>
      tpu.vector_store %arg12[%swap3A_733, %swap3A_734], %swap3A_737 {strides = array<i32>} : memref<128x128xf32, #tpu.memory_space<vmem>>, vector<1x16xf32>,
      %get3A_738 = arith.index_cast %select_n3A_639 : i32 to index
      %get3A_739 = arith.constant 96 : index
      %get3A_740 = tpu.vector_load %arg12[%get3A_738, %get3A_739] {strides = array<i32>} : memref<128x128xf32, #tpu.memory_space<vmem>>, vector<1x16xf32>,
      %get3A_741 = vector.shape_cast %get3A_740 : vector<1x16xf32> to vector<16xf32>
      %add3A_742 = arith.addf %get3A_741, %parallel_loop3A_677#6 : vector<16xf32>
      %swap3A_743 = arith.index_cast %select_n3A_639 : i32 to index
      %swap3A_744 = arith.constant 96 : index
      %swap3A_745 = tpu.vector_load %arg12[%swap3A_743, %swap3A_744] {strides = array<i32>} : memref<128x128xf32, #tpu.memory_space<vmem>>, vector<1x16xf32>,
      %swap3A_746 = vector.shape_cast %swap3A_745 : vector<1x16xf32> to vector<16xf32>
      %swap3A_747 = vector.shape_cast %add3A_742 : vector<16xf32> to vector<1x16xf32>
      tpu.vector_store %arg12[%swap3A_743, %swap3A_744], %swap3A_747 {strides = array<i32>} : memref<128x128xf32, #tpu.memory_space<vmem>>, vector<1x16xf32>,
      %get3A_748 = arith.index_cast %select_n3A_639 : i32 to index
      %get3A_749 = arith.constant 112 : index
      %get3A_750 = tpu.vector_load %arg12[%get3A_748, %get3A_749] {strides = array<i32>} : memref<128x128xf32, #tpu.memory_space<vmem>>, vector<1x16xf32>,
      %get3A_751 = vector.shape_cast %get3A_750 : vector<1x16xf32> to vector<16xf32>
      %add3A_752 = arith.addf %get3A_751, %parallel_loop3A_677#7 : vector<16xf32>
      %swap3A_753 = arith.index_cast %select_n3A_639 : i32 to index
      %swap3A_754 = arith.constant 112 : index
      %swap3A_755 = tpu.vector_load %arg12[%swap3A_753, %swap3A_754] {strides = array<i32>} : memref<128x128xf32, #tpu.memory_space<vmem>>, vector<1x16xf32>,
      %swap3A_756 = vector.shape_cast %swap3A_755 : vector<1x16xf32> to vector<16xf32>
      %swap3A_757 = vector.shape_cast %add3A_752 : vector<16xf32> to vector<1x16xf32>
      tpu.vector_store %arg12[%swap3A_753, %swap3A_754], %swap3A_757 {strides = array<i32>} : memref<128x128xf32, #tpu.memory_space<vmem>>, vector<1x16xf32>,
      %parallel_loop3A_758 = arith.constant 128 : i32
      %parallel_loop3A_759 = arith.constant 1 : i32
      %parallel_loop3A_760:8 = scf.for %parallel_loop3A_976 = %min3A_646 to %parallel_loop3A_758 step %parallel_loop3A_759 iter_args(%parallel_loop3A_977 = %broadcast_in_dim3A_4, %parallel_loop3A_978 = %broadcast_in_dim3A_4, %parallel_loop3A_979 = %broadcast_in_dim3A_4, %parallel_loop3A_980 = %broadcast_in_dim3A_4, %parallel_loop3A_981 = %broadcast_in_dim3A_4, %parallel_loop3A_982 = %broadcast_in_dim3A_4, %parallel_loop3A_983 = %broadcast_in_dim3A_4, %parallel_loop3A_984 = %broadcast_in_dim3A_4) -> (vector<16xf32>, vector<16xf32>, vector<16xf32>, vector<16xf32>, vector<16xf32>, vector<16xf32>, vector<16xf32>, vector<16xf32>)  : i32 {
        %parallel_loop3A_985 = arith.index_cast %parallel_loop3A_976 : i32 to index
        %parallel_loop3A_986 = arith.constant 0 : index
        %parallel_loop3A_987 = tpu.vector_load %arg10[%parallel_loop3A_985, %parallel_loop3A_986] {strides = array<i32>} : memref<128x128xf32, #tpu.memory_space<vmem>>, vector<1x16xf32>,
        %parallel_loop3A_988 = vector.shape_cast %parallel_loop3A_987 : vector<1x16xf32> to vector<16xf32>
        %parallel_loop3A_989 = arith.addf %parallel_loop3A_977, %parallel_loop3A_988 : vector<16xf32>
        %parallel_loop3A_990 = arith.index_cast %parallel_loop3A_976 : i32 to index
        %parallel_loop3A_991 = arith.constant 16 : index
        %parallel_loop3A_992 = tpu.vector_load %arg10[%parallel_loop3A_990, %parallel_loop3A_991] {strides = array<i32>} : memref<128x128xf32, #tpu.memory_space<vmem>>, vector<1x16xf32>,
        %parallel_loop3A_993 = vector.shape_cast %parallel_loop3A_992 : vector<1x16xf32> to vector<16xf32>
        %parallel_loop3A_994 = arith.addf %parallel_loop3A_978, %parallel_loop3A_993 : vector<16xf32>
        %parallel_loop3A_995 = arith.index_cast %parallel_loop3A_976 : i32 to index
        %parallel_loop3A_996 = arith.constant 32 : index
        %parallel_loop3A_997 = tpu.vector_load %arg10[%parallel_loop3A_995, %parallel_loop3A_996] {strides = array<i32>} : memref<128x128xf32, #tpu.memory_space<vmem>>, vector<1x16xf32>,
        %parallel_loop3A_998 = vector.shape_cast %parallel_loop3A_997 : vector<1x16xf32> to vector<16xf32>
        %parallel_loop3A_999 = arith.addf %parallel_loop3A_979, %parallel_loop3A_998 : vector<16xf32>
        %parallel_loop3A_1000 = arith.index_cast %parallel_loop3A_976 : i32 to index
        %parallel_loop3A_1001 = arith.constant 48 : index
        %parallel_loop3A_1002 = tpu.vector_load %arg10[%parallel_loop3A_1000, %parallel_loop3A_1001] {strides = array<i32>} : memref<128x128xf32, #tpu.memory_space<vmem>>, vector<1x16xf32>,
        %parallel_loop3A_1003 = vector.shape_cast %parallel_loop3A_1002 : vector<1x16xf32> to vector<16xf32>
        %parallel_loop3A_1004 = arith.addf %parallel_loop3A_980, %parallel_loop3A_1003 : vector<16xf32>
        %parallel_loop3A_1005 = arith.index_cast %parallel_loop3A_976 : i32 to index
        %parallel_loop3A_1006 = arith.constant 64 : index
        %parallel_loop3A_1007 = tpu.vector_load %arg10[%parallel_loop3A_1005, %parallel_loop3A_1006] {strides = array<i32>} : memref<128x128xf32, #tpu.memory_space<vmem>>, vector<1x16xf32>,
        %parallel_loop3A_1008 = vector.shape_cast %parallel_loop3A_1007 : vector<1x16xf32> to vector<16xf32>
        %parallel_loop3A_1009 = arith.addf %parallel_loop3A_981, %parallel_loop3A_1008 : vector<16xf32>
        %parallel_loop3A_1010 = arith.index_cast %parallel_loop3A_976 : i32 to index
        %parallel_loop3A_1011 = arith.constant 80 : index
        %parallel_loop3A_1012 = tpu.vector_load %arg10[%parallel_loop3A_1010, %parallel_loop3A_1011] {strides = array<i32>} : memref<128x128xf32, #tpu.memory_space<vmem>>, vector<1x16xf32>,
        %parallel_loop3A_1013 = vector.shape_cast %parallel_loop3A_1012 : vector<1x16xf32> to vector<16xf32>
        %parallel_loop3A_1014 = arith.addf %parallel_loop3A_982, %parallel_loop3A_1013 : vector<16xf32>
        %parallel_loop3A_1015 = arith.index_cast %parallel_loop3A_976 : i32 to index
        %parallel_loop3A_1016 = arith.constant 96 : index
        %parallel_loop3A_1017 = tpu.vector_load %arg10[%parallel_loop3A_1015, %parallel_loop3A_1016] {strides = array<i32>} : memref<128x128xf32, #tpu.memory_space<vmem>>, vector<1x16xf32>,
        %parallel_loop3A_1018 = vector.shape_cast %parallel_loop3A_1017 : vector<1x16xf32> to vector<16xf32>
        %parallel_loop3A_1019 = arith.addf %parallel_loop3A_983, %parallel_loop3A_1018 : vector<16xf32>
        %parallel_loop3A_1020 = arith.index_cast %parallel_loop3A_976 : i32 to index
        %parallel_loop3A_1021 = arith.constant 112 : index
        %parallel_loop3A_1022 = tpu.vector_load %arg10[%parallel_loop3A_1020, %parallel_loop3A_1021] {strides = array<i32>} : memref<128x128xf32, #tpu.memory_space<vmem>>, vector<1x16xf32>,
        %parallel_loop3A_1023 = vector.shape_cast %parallel_loop3A_1022 : vector<1x16xf32> to vector<16xf32>
        %parallel_loop3A_1024 = arith.addf %parallel_loop3A_984, %parallel_loop3A_1023 : vector<16xf32>
        scf.yield %parallel_loop3A_989, %parallel_loop3A_994, %parallel_loop3A_999, %parallel_loop3A_1004, %parallel_loop3A_1009, %parallel_loop3A_1014, %parallel_loop3A_1019, %parallel_loop3A_1024 : vector<16xf32>, vector<16xf32>, vector<16xf32>, vector<16xf32>, vector<16xf32>, vector<16xf32>, vector<16xf32>, vector<16xf32>
      } {sc.loop_unroll_factor = 1 : i64, sc.parallel_access}
      %get3A_761 = arith.index_cast %select_n3A_674 : i32 to index
      %get3A_762 = arith.constant 0 : index
      %get3A_763 = tpu.vector_load %arg12[%get3A_761, %get3A_762] {strides = array<i32>} : memref<128x128xf32, #tpu.memory_space<vmem>>, vector<1x16xf32>,
      %get3A_764 = vector.shape_cast %get3A_763 : vector<1x16xf32> to vector<16xf32>
      %add3A_765 = arith.addf %get3A_764, %parallel_loop3A_760#0 : vector<16xf32>
      %swap3A_766 = arith.index_cast %select_n3A_674 : i32 to index
      %swap3A_767 = arith.constant 0 : index
      %swap3A_768 = tpu.vector_load %arg12[%swap3A_766, %swap3A_767] {strides = array<i32>} : memref<128x128xf32, #tpu.memory_space<vmem>>, vector<1x16xf32>,
      %swap3A_769 = vector.shape_cast %swap3A_768 : vector<1x16xf32> to vector<16xf32>
      %swap3A_770 = vector.shape_cast %add3A_765 : vector<16xf32> to vector<1x16xf32>
      tpu.vector_store %arg12[%swap3A_766, %swap3A_767], %swap3A_770 {strides = array<i32>} : memref<128x128xf32, #tpu.memory_space<vmem>>, vector<1x16xf32>,
      %get3A_771 = arith.index_cast %select_n3A_674 : i32 to index
      %get3A_772 = arith.constant 16 : index
      %get3A_773 = tpu.vector_load %arg12[%get3A_771, %get3A_772] {strides = array<i32>} : memref<128x128xf32, #tpu.memory_space<vmem>>, vector<1x16xf32>,
      %get3A_774 = vector.shape_cast %get3A_773 : vector<1x16xf32> to vector<16xf32>
      %add3A_775 = arith.addf %get3A_774, %parallel_loop3A_760#1 : vector<16xf32>
      %swap3A_776 = arith.index_cast %select_n3A_674 : i32 to index
      %swap3A_777 = arith.constant 16 : index
      %swap3A_778 = tpu.vector_load %arg12[%swap3A_776, %swap3A_777] {strides = array<i32>} : memref<128x128xf32, #tpu.memory_space<vmem>>, vector<1x16xf32>,
      %swap3A_779 = vector.shape_cast %swap3A_778 : vector<1x16xf32> to vector<16xf32>
      %swap3A_780 = vector.shape_cast %add3A_775 : vector<16xf32> to vector<1x16xf32>
      tpu.vector_store %arg12[%swap3A_776, %swap3A_777], %swap3A_780 {strides = array<i32>} : memref<128x128xf32, #tpu.memory_space<vmem>>, vector<1x16xf32>,
      %get3A_781 = arith.index_cast %select_n3A_674 : i32 to index
      %get3A_782 = arith.constant 32 : index
      %get3A_783 = tpu.vector_load %arg12[%get3A_781, %get3A_782] {strides = array<i32>} : memref<128x128xf32, #tpu.memory_space<vmem>>, vector<1x16xf32>,
      %get3A_784 = vector.shape_cast %get3A_783 : vector<1x16xf32> to vector<16xf32>
      %add3A_785 = arith.addf %get3A_784, %parallel_loop3A_760#2 : vector<16xf32>
      %swap3A_786 = arith.index_cast %select_n3A_674 : i32 to index
      %swap3A_787 = arith.constant 32 : index
      %swap3A_788 = tpu.vector_load %arg12[%swap3A_786, %swap3A_787] {strides = array<i32>} : memref<128x128xf32, #tpu.memory_space<vmem>>, vector<1x16xf32>,
      %swap3A_789 = vector.shape_cast %swap3A_788 : vector<1x16xf32> to vector<16xf32>
      %swap3A_790 = vector.shape_cast %add3A_785 : vector<16xf32> to vector<1x16xf32>
      tpu.vector_store %arg12[%swap3A_786, %swap3A_787], %swap3A_790 {strides = array<i32>} : memref<128x128xf32, #tpu.memory_space<vmem>>, vector<1x16xf32>,
      %get3A_791 = arith.index_cast %select_n3A_674 : i32 to index
      %get3A_792 = arith.constant 48 : index
      %get3A_793 = tpu.vector_load %arg12[%get3A_791, %get3A_792] {strides = array<i32>} : memref<128x128xf32, #tpu.memory_space<vmem>>, vector<1x16xf32>,
      %get3A_794 = vector.shape_cast %get3A_793 : vector<1x16xf32> to vector<16xf32>
      %add3A_795 = arith.addf %get3A_794, %parallel_loop3A_760#3 : vector<16xf32>
      %swap3A_796 = arith.index_cast %select_n3A_674 : i32 to index
      %swap3A_797 = arith.constant 48 : index
      %swap3A_798 = tpu.vector_load %arg12[%swap3A_796, %swap3A_797] {strides = array<i32>} : memref<128x128xf32, #tpu.memory_space<vmem>>, vector<1x16xf32>,
      %swap3A_799 = vector.shape_cast %swap3A_798 : vector<1x16xf32> to vector<16xf32>
      %swap3A_800 = vector.shape_cast %add3A_795 : vector<16xf32> to vector<1x16xf32>
      tpu.vector_store %arg12[%swap3A_796, %swap3A_797], %swap3A_800 {strides = array<i32>} : memref<128x128xf32, #tpu.memory_space<vmem>>, vector<1x16xf32>,
      %get3A_801 = arith.index_cast %select_n3A_674 : i32 to index
      %get3A_802 = arith.constant 64 : index
      %get3A_803 = tpu.vector_load %arg12[%get3A_801, %get3A_802] {strides = array<i32>} : memref<128x128xf32, #tpu.memory_space<vmem>>, vector<1x16xf32>,
      %get3A_804 = vector.shape_cast %get3A_803 : vector<1x16xf32> to vector<16xf32>
      %add3A_805 = arith.addf %get3A_804, %parallel_loop3A_760#4 : vector<16xf32>
      %swap3A_806 = arith.index_cast %select_n3A_674 : i32 to index
      %swap3A_807 = arith.constant 64 : index
      %swap3A_808 = tpu.vector_load %arg12[%swap3A_806, %swap3A_807] {strides = array<i32>} : memref<128x128xf32, #tpu.memory_space<vmem>>, vector<1x16xf32>,
      %swap3A_809 = vector.shape_cast %swap3A_808 : vector<1x16xf32> to vector<16xf32>
      %swap3A_810 = vector.shape_cast %add3A_805 : vector<16xf32> to vector<1x16xf32>
      tpu.vector_store %arg12[%swap3A_806, %swap3A_807], %swap3A_810 {strides = array<i32>} : memref<128x128xf32, #tpu.memory_space<vmem>>, vector<1x16xf32>,
      %get3A_811 = arith.index_cast %select_n3A_674 : i32 to index
      %get3A_812 = arith.constant 80 : index
      %get3A_813 = tpu.vector_load %arg12[%get3A_811, %get3A_812] {strides = array<i32>} : memref<128x128xf32, #tpu.memory_space<vmem>>, vector<1x16xf32>,
      %get3A_814 = vector.shape_cast %get3A_813 : vector<1x16xf32> to vector<16xf32>
      %add3A_815 = arith.addf %get3A_814, %parallel_loop3A_760#5 : vector<16xf32>
      %swap3A_816 = arith.index_cast %select_n3A_674 : i32 to index
      %swap3A_817 = arith.constant 80 : index
      %swap3A_818 = tpu.vector_load %arg12[%swap3A_816, %swap3A_817] {strides = array<i32>} : memref<128x128xf32, #tpu.memory_space<vmem>>, vector<1x16xf32>,
      %swap3A_819 = vector.shape_cast %swap3A_818 : vector<1x16xf32> to vector<16xf32>
      %swap3A_820 = vector.shape_cast %add3A_815 : vector<16xf32> to vector<1x16xf32>
      tpu.vector_store %arg12[%swap3A_816, %swap3A_817], %swap3A_820 {strides = array<i32>} : memref<128x128xf32, #tpu.memory_space<vmem>>, vector<1x16xf32>,
      %get3A_821 = arith.index_cast %select_n3A_674 : i32 to index
      %get3A_822 = arith.constant 96 : index
      %get3A_823 = tpu.vector_load %arg12[%get3A_821, %get3A_822] {strides = array<i32>} : memref<128x128xf32, #tpu.memory_space<vmem>>, vector<1x16xf32>,
      %get3A_824 = vector.shape_cast %get3A_823 : vector<1x16xf32> to vector<16xf32>
      %add3A_825 = arith.addf %get3A_824, %parallel_loop3A_760#6 : vector<16xf32>
      %swap3A_826 = arith.index_cast %select_n3A_674 : i32 to index
      %swap3A_827 = arith.constant 96 : index
      %swap3A_828 = tpu.vector_load %arg12[%swap3A_826, %swap3A_827] {strides = array<i32>} : memref<128x128xf32, #tpu.memory_space<vmem>>, vector<1x16xf32>,
      %swap3A_829 = vector.shape_cast %swap3A_828 : vector<1x16xf32> to vector<16xf32>
      %swap3A_830 = vector.shape_cast %add3A_825 : vector<16xf32> to vector<1x16xf32>
      tpu.vector_store %arg12[%swap3A_826, %swap3A_827], %swap3A_830 {strides = array<i32>} : memref<128x128xf32, #tpu.memory_space<vmem>>, vector<1x16xf32>,
      %get3A_831 = arith.index_cast %select_n3A_674 : i32 to index
      %get3A_832 = arith.constant 112 : index
      %get3A_833 = tpu.vector_load %arg12[%get3A_831, %get3A_832] {strides = array<i32>} : memref<128x128xf32, #tpu.memory_space<vmem>>, vector<1x16xf32>,
      %get3A_834 = vector.shape_cast %get3A_833 : vector<1x16xf32> to vector<16xf32>
      %add3A_835 = arith.addf %get3A_834, %parallel_loop3A_760#7 : vector<16xf32>
      %swap3A_836 = arith.index_cast %select_n3A_674 : i32 to index
      %swap3A_837 = arith.constant 112 : index
      %swap3A_838 = tpu.vector_load %arg12[%swap3A_836, %swap3A_837] {strides = array<i32>} : memref<128x128xf32, #tpu.memory_space<vmem>>, vector<1x16xf32>,
      %swap3A_839 = vector.shape_cast %swap3A_838 : vector<1x16xf32> to vector<16xf32>
      %swap3A_840 = vector.shape_cast %add3A_835 : vector<16xf32> to vector<1x16xf32>
      tpu.vector_store %arg12[%swap3A_836, %swap3A_837], %swap3A_840 {strides = array<i32>} : memref<128x128xf32, #tpu.memory_space<vmem>>, vector<1x16xf32>,
      %add3A_841 = arith.constant 3 : i32
      %add3A_842 = arith.addi %add3A_50, %add3A_841 : i32
      %jit3A_843 = arith.constant 40 : i32
      %div3A_844 = arith.divsi %add3A_842, %jit3A_843 : i32
      %sign3A_845 = arith.constant 0 : i32
      %sign3A_846 = arith.cmpi sgt, %add3A_842, %sign3A_845 : i32
      %sign3A_847 = arith.extui %sign3A_846 : i1 to i32
      %sign3A_848 = arith.constant 0 : i32
      %sign3A_849 = arith.cmpi slt, %add3A_842, %sign3A_848 : i32
      %sign3A_850 = arith.extui %sign3A_849 : i1 to i32
      %sign3A_851 = arith.subi %sign3A_847, %sign3A_850 : i32
      %sign3A_852 = arith.constant 0 : i32
      %sign3A_853 = arith.cmpi sgt, %jit3A_843, %sign3A_852 : i32
      %sign3A_854 = arith.extui %sign3A_853 : i1 to i32
      %sign3A_855 = arith.constant 0 : i32
      %sign3A_856 = arith.cmpi slt, %jit3A_843, %sign3A_855 : i32
      %sign3A_857 = arith.extui %sign3A_856 : i1 to i32
      %sign3A_858 = arith.subi %sign3A_854, %sign3A_857 : i32
      %ne3A_859 = arith.cmpi ne, %sign3A_851, %sign3A_858 : i32
      %rem3A_860 = arith.remsi %add3A_842, %jit3A_843 : i32
      %ne3A_861 = arith.constant 0 : i32
      %ne3A_862 = arith.cmpi ne, %rem3A_860, %ne3A_861 : i32
      %and3A_863 = arith.andi %ne3A_859, %ne3A_862 : i1
      %sub3A_864 = arith.constant 1 : i32
      %sub3A_865 = arith.subi %div3A_844, %sub3A_864 : i32
      %select_n3A_866 = arith.select %and3A_863, %sub3A_865, %div3A_844 : i32
      %jit3A_867 = arith.constant 2 : i32
      %eq3A_868 = arith.constant 0 : i32
      %eq3A_869 = arith.cmpi eq, %jit3A_867, %eq3A_868 : i32
      %jit3A_870 = arith.constant 1 : i32
      %select_n3A_871 = arith.select %eq3A_869, %jit3A_870, %jit3A_867 : i32
      %rem3A_872 = arith.remsi %select_n3A_866, %select_n3A_871 : i32
      %ne3A_873 = arith.constant 0 : i32
      %ne3A_874 = arith.cmpi ne, %rem3A_872, %ne3A_873 : i32
      %lt3A_875 = arith.constant 0 : i32
      %lt3A_876 = arith.cmpi slt, %rem3A_872, %lt3A_875 : i32
      %lt3A_877 = arith.constant 0 : i32
      %lt3A_878 = arith.cmpi slt, %select_n3A_871, %lt3A_877 : i32
      %ne3A_879 = arith.xori %lt3A_876, %lt3A_878 : i1
      %and3A_880 = arith.andi %ne3A_879, %ne3A_874 : i1
      %add3A_881 = arith.addi %rem3A_872, %select_n3A_871 : i32
      %select_n3A_882 = arith.select %and3A_880, %add3A_881, %rem3A_872 : i32
      %jit3A_883 = arith.constant 40 : i32
      %eq3A_884 = arith.constant 0 : i32
      %eq3A_885 = arith.cmpi eq, %jit3A_883, %eq3A_884 : i32
      %jit3A_886 = arith.constant 1 : i32
      %select_n3A_887 = arith.select %eq3A_885, %jit3A_886, %jit3A_883 : i32
      %rem3A_888 = arith.remsi %add3A_842, %select_n3A_887 : i32
      %ne3A_889 = arith.constant 0 : i32
      %ne3A_890 = arith.cmpi ne, %rem3A_888, %ne3A_889 : i32
      %lt3A_891 = arith.constant 0 : i32
      %lt3A_892 = arith.cmpi slt, %rem3A_888, %lt3A_891 : i32
      %lt3A_893 = arith.constant 0 : i32
      %lt3A_894 = arith.cmpi slt, %select_n3A_887, %lt3A_893 : i32
      %ne3A_895 = arith.xori %lt3A_892, %lt3A_894 : i1
      %and3A_896 = arith.andi %ne3A_895, %ne3A_890 : i1
      %add3A_897 = arith.addi %rem3A_888, %select_n3A_887 : i32
      %select_n3A_898 = arith.select %and3A_896, %add3A_897, %rem3A_888 : i32
      %dma_wait3A_899 = arith.constant 0 : i32
      %dma_wait3A_900 = tpu.memref_slice %arg6[%select_n3A_882, %select_n3A_898, %dma_wait3A_899] : memref<2x40x128xi32, #tpu.memory_space<vmem>> -> memref<1x1x128xi32, #tpu.memory_space<vmem>>
      %dma_wait3A_901 = tpu.memref_squeeze %dma_wait3A_900 : memref<1x1x128xi32, #tpu.memory_space<vmem>> -> memref<128xi32, #tpu.memory_space<vmem>>
      %dma_wait3A_902 = arith.constant 0 : i32
      %dma_wait3A_903 = arith.constant 0 : i32
      %dma_wait3A_904 = tpu.memref_slice %arg4[%dma_wait3A_902, %dma_wait3A_903] : memref<100000x128xf32, #tpu.memory_space<hbm>> -> memref<100000x128xf32, #tpu.memory_space<hbm>>
      tpu.wait_indirect_dma semaphore(%arg17 : memref<!tpu.dma_semaphore, #tpu.memory_space<semaphore_mem>>) src(%dma_wait3A_904 : memref<100000x128xf32, #tpu.memory_space<hbm>>) dst(%arg11 : memref<128x128xf32, #tpu.memory_space<vmem>>)
      %add3A_905 = arith.constant 4 : i32
      %add3A_906 = arith.addi %add3A_842, %add3A_905 : i32
      %sub3A_907 = arith.constant 2 : i32
      %sub3A_908 = arith.subi %add3A_906, %sub3A_907 : i32
      %jit3A_909 = arith.constant 40 : i32
      %div3A_910 = arith.divsi %add3A_842, %jit3A_909 : i32
      %sign3A_911 = arith.constant 0 : i32
      %sign3A_912 = arith.cmpi sgt, %add3A_842, %sign3A_911 : i32
      %sign3A_913 = arith.extui %sign3A_912 : i1 to i32
      %sign3A_914 = arith.constant 0 : i32
      %sign3A_915 = arith.cmpi slt, %add3A_842, %sign3A_914 : i32
      %sign3A_916 = arith.extui %sign3A_915 : i1 to i32
      %sign3A_917 = arith.subi %sign3A_913, %sign3A_916 : i32
      %sign3A_918 = arith.constant 0 : i32
      %sign3A_919 = arith.cmpi sgt, %jit3A_909, %sign3A_918 : i32
      %sign3A_920 = arith.extui %sign3A_919 : i1 to i32
      %sign3A_921 = arith.constant 0 : i32
      %sign3A_922 = arith.cmpi slt, %jit3A_909, %sign3A_921 : i32
      %sign3A_923 = arith.extui %sign3A_922 : i1 to i32
      %sign3A_924 = arith.subi %sign3A_920, %sign3A_923 : i32
      %ne3A_925 = arith.cmpi ne, %sign3A_917, %sign3A_924 : i32
      %rem3A_926 = arith.remsi %add3A_842, %jit3A_909 : i32
      %ne3A_927 = arith.constant 0 : i32
      %ne3A_928 = arith.cmpi ne, %rem3A_926, %ne3A_927 : i32
      %and3A_929 = arith.andi %ne3A_925, %ne3A_928 : i1
      %sub3A_930 = arith.constant 1 : i32
      %sub3A_931 = arith.subi %div3A_910, %sub3A_930 : i32
      %select_n3A_932 = arith.select %and3A_929, %sub3A_931, %div3A_910 : i32
      %jit3A_933 = arith.constant 2 : i32
      %eq3A_934 = arith.constant 0 : i32
      %eq3A_935 = arith.cmpi eq, %jit3A_933, %eq3A_934 : i32
      %jit3A_936 = arith.constant 1 : i32
      %select_n3A_937 = arith.select %eq3A_935, %jit3A_936, %jit3A_933 : i32
      %rem3A_938 = arith.remsi %select_n3A_932, %select_n3A_937 : i32
      %ne3A_939 = arith.constant 0 : i32
      %ne3A_940 = arith.cmpi ne, %rem3A_938, %ne3A_939 : i32
      %lt3A_941 = arith.constant 0 : i32
      %lt3A_942 = arith.cmpi slt, %rem3A_938, %lt3A_941 : i32
      %lt3A_943 = arith.constant 0 : i32
      %lt3A_944 = arith.cmpi slt, %select_n3A_937, %lt3A_943 : i32
      %ne3A_945 = arith.xori %lt3A_942, %lt3A_944 : i1
      %and3A_946 = arith.andi %ne3A_945, %ne3A_940 : i1
      %add3A_947 = arith.addi %rem3A_938, %select_n3A_937 : i32
      %select_n3A_948 = arith.select %and3A_946, %add3A_947, %rem3A_938 : i32
      %jit3A_949 = arith.constant 40 : i32
      %eq3A_950 = arith.constant 0 : i32
      %eq3A_951 = arith.cmpi eq, %jit3A_949, %eq3A_950 : i32
      %jit3A_952 = arith.constant 1 : i32
      %select_n3A_953 = arith.select %eq3A_951, %jit3A_952, %jit3A_949 : i32
      %rem3A_954 = arith.remsi %add3A_842, %select_n3A_953 : i32
      %ne3A_955 = arith.constant 0 : i32
      %ne3A_956 = arith.cmpi ne, %rem3A_954, %ne3A_955 : i32
      %lt3A_957 = arith.constant 0 : i32
      %lt3A_958 = arith.cmpi slt, %rem3A_954, %lt3A_957 : i32
      %lt3A_959 = arith.constant 0 : i32
      %lt3A_960 = arith.cmpi slt, %select_n3A_953, %lt3A_959 : i32
      %ne3A_961 = arith.xori %lt3A_958, %lt3A_960 : i1
      %and3A_962 = arith.andi %ne3A_961, %ne3A_956 : i1
      %add3A_963 = arith.addi %rem3A_954, %select_n3A_953 : i32
      %select_n3A_964 = arith.select %and3A_962, %add3A_963, %rem3A_954 : i32
      %dma_start3A_965 = arith.constant 0 : i32
      %dma_start3A_966 = tpu.memref_slice %arg7[%select_n3A_948, %select_n3A_964, %dma_start3A_965] : memref<2x40x128xi32, #tpu.memory_space<vmem>> -> memref<1x1x128xi32, #tpu.memory_space<vmem>>
      %dma_start3A_967 = tpu.memref_squeeze %dma_start3A_966 : memref<1x1x128xi32, #tpu.memory_space<vmem>> -> memref<128xi32, #tpu.memory_space<vmem>>
      %dma_start3A_968 = arith.constant 0 : i32
      %dma_start3A_969 = arith.constant 0 : i32
      %dma_start3A_970 = tpu.memref_slice %arg13[%dma_start3A_968, %dma_start3A_969] : memref<2048x128xf32, #tpu.memory_space<vmem_shared>> -> memref<2048x128xf32, #tpu.memory_space<vmem_shared>>
      tpu.enqueue_indirect_dma source(%arg11 : memref<128x128xf32, #tpu.memory_space<vmem>>) target(%dma_start3A_970 : memref<2048x128xf32, #tpu.memory_space<vmem_shared>>) offsets(%dma_start3A_967 : memref<128xi32, #tpu.memory_space<vmem>>) semaphore(%arg21 : memref<!tpu.dma_semaphore, #tpu.memory_space<semaphore_mem>>) {add = true}
      %lt3A_971 = arith.constant 200 : i32
      %lt3A_972 = arith.cmpi slt, %sub3A_908, %lt3A_971 : i32
      %convert_element_type3A_973 = arith.extui %lt3A_972 : i1 to i32
      %cond3A_974 = arith.constant 0 : i32
      %cond3A_975 = arith.cmpi ne, %convert_element_type3A_973, %cond3A_974 : i32
      scf.if %cond3A_975 {
        %ge3A = arith.constant 2 : i32
        %ge3A_976 = arith.cmpi sge, %add3A_842, %ge3A : i32
        %convert_element_type3A_977 = arith.extui %ge3A_976 : i1 to i32
        %cond3A_978 = arith.constant 0 : i32
        %cond3A_979 = arith.cmpi ne, %convert_element_type3A_977, %cond3A_978 : i32
        scf.if %cond3A_979 {
          %sub3A_1042 = arith.constant 2 : i32
          %sub3A_1043 = arith.subi %add3A_842, %sub3A_1042 : i32
          %jit3A_1044 = arith.constant 40 : i32
          %div3A_1045 = arith.divsi %sub3A_1043, %jit3A_1044 : i32
          %sign3A_1046 = arith.constant 0 : i32
          %sign3A_1047 = arith.cmpi sgt, %sub3A_1043, %sign3A_1046 : i32
          %sign3A_1048 = arith.extui %sign3A_1047 : i1 to i32
          %sign3A_1049 = arith.constant 0 : i32
          %sign3A_1050 = arith.cmpi slt, %sub3A_1043, %sign3A_1049 : i32
          %sign3A_1051 = arith.extui %sign3A_1050 : i1 to i32
          %sign3A_1052 = arith.subi %sign3A_1048, %sign3A_1051 : i32
          %sign3A_1053 = arith.constant 0 : i32
          %sign3A_1054 = arith.cmpi sgt, %jit3A_1044, %sign3A_1053 : i32
          %sign3A_1055 = arith.extui %sign3A_1054 : i1 to i32
          %sign3A_1056 = arith.constant 0 : i32
          %sign3A_1057 = arith.cmpi slt, %jit3A_1044, %sign3A_1056 : i32
          %sign3A_1058 = arith.extui %sign3A_1057 : i1 to i32
          %sign3A_1059 = arith.subi %sign3A_1055, %sign3A_1058 : i32
          %ne3A_1060 = arith.cmpi ne, %sign3A_1052, %sign3A_1059 : i32
          %rem3A_1061 = arith.remsi %sub3A_1043, %jit3A_1044 : i32
          %ne3A_1062 = arith.constant 0 : i32
          %ne3A_1063 = arith.cmpi ne, %rem3A_1061, %ne3A_1062 : i32
          %and3A_1064 = arith.andi %ne3A_1060, %ne3A_1063 : i1
          %sub3A_1065 = arith.constant 1 : i32
          %sub3A_1066 = arith.subi %div3A_1045, %sub3A_1065 : i32
          %select_n3A_1067 = arith.select %and3A_1064, %sub3A_1066, %div3A_1045 : i32
          %jit3A_1068 = arith.constant 2 : i32
          %eq3A_1069 = arith.constant 0 : i32
          %eq3A_1070 = arith.cmpi eq, %jit3A_1068, %eq3A_1069 : i32
          %jit3A_1071 = arith.constant 1 : i32
          %select_n3A_1072 = arith.select %eq3A_1070, %jit3A_1071, %jit3A_1068 : i32
          %rem3A_1073 = arith.remsi %select_n3A_1067, %select_n3A_1072 : i32
          %ne3A_1074 = arith.constant 0 : i32
          %ne3A_1075 = arith.cmpi ne, %rem3A_1073, %ne3A_1074 : i32
          %lt3A_1076 = arith.constant 0 : i32
          %lt3A_1077 = arith.cmpi slt, %rem3A_1073, %lt3A_1076 : i32
          %lt3A_1078 = arith.constant 0 : i32
          %lt3A_1079 = arith.cmpi slt, %select_n3A_1072, %lt3A_1078 : i32
          %ne3A_1080 = arith.xori %lt3A_1077, %lt3A_1079 : i1
          %and3A_1081 = arith.andi %ne3A_1080, %ne3A_1075 : i1
          %add3A_1082 = arith.addi %rem3A_1073, %select_n3A_1072 : i32
          %select_n3A_1083 = arith.select %and3A_1081, %add3A_1082, %rem3A_1073 : i32
          %jit3A_1084 = arith.constant 40 : i32
          %eq3A_1085 = arith.constant 0 : i32
          %eq3A_1086 = arith.cmpi eq, %jit3A_1084, %eq3A_1085 : i32
          %jit3A_1087 = arith.constant 1 : i32
          %select_n3A_1088 = arith.select %eq3A_1086, %jit3A_1087, %jit3A_1084 : i32
          %rem3A_1089 = arith.remsi %sub3A_1043, %select_n3A_1088 : i32
          %ne3A_1090 = arith.constant 0 : i32
          %ne3A_1091 = arith.cmpi ne, %rem3A_1089, %ne3A_1090 : i32
          %lt3A_1092 = arith.constant 0 : i32
          %lt3A_1093 = arith.cmpi slt, %rem3A_1089, %lt3A_1092 : i32
          %lt3A_1094 = arith.constant 0 : i32
          %lt3A_1095 = arith.cmpi slt, %select_n3A_1088, %lt3A_1094 : i32
          %ne3A_1096 = arith.xori %lt3A_1093, %lt3A_1095 : i1
          %and3A_1097 = arith.andi %ne3A_1096, %ne3A_1091 : i1
          %add3A_1098 = arith.addi %rem3A_1089, %select_n3A_1088 : i32
          %select_n3A_1099 = arith.select %and3A_1097, %add3A_1098, %rem3A_1089 : i32
          %dma_wait3A_1100 = arith.constant 0 : i32
          %dma_wait3A_1101 = tpu.memref_slice %arg7[%select_n3A_1083, %select_n3A_1099, %dma_wait3A_1100] : memref<2x40x128xi32, #tpu.memory_space<vmem>> -> memref<1x1x128xi32, #tpu.memory_space<vmem>>
          %dma_wait3A_1102 = tpu.memref_squeeze %dma_wait3A_1101 : memref<1x1x128xi32, #tpu.memory_space<vmem>> -> memref<128xi32, #tpu.memory_space<vmem>>
          %dma_wait3A_1103 = arith.constant 0 : i32
          %dma_wait3A_1104 = arith.constant 0 : i32
          %dma_wait3A_1105 = tpu.memref_slice %arg13[%dma_wait3A_1103, %dma_wait3A_1104] : memref<2048x128xf32, #tpu.memory_space<vmem_shared>> -> memref<2048x128xf32, #tpu.memory_space<vmem_shared>>
          tpu.wait_indirect_dma semaphore(%arg19 : memref<!tpu.dma_semaphore, #tpu.memory_space<semaphore_mem>>) src(%arg9 : memref<128x128xf32, #tpu.memory_space<vmem>>) dst(%dma_wait3A_1105 : memref<2048x128xf32, #tpu.memory_space<vmem_shared>>)
        } else {
        }
        %jit3A_980 = arith.constant 40 : i32
        %div3A_981 = arith.divsi %sub3A_908, %jit3A_980 : i32
        %sign3A_982 = arith.constant 0 : i32
        %sign3A_983 = arith.cmpi sgt, %sub3A_908, %sign3A_982 : i32
        %sign3A_984 = arith.extui %sign3A_983 : i1 to i32
        %sign3A_985 = arith.constant 0 : i32
        %sign3A_986 = arith.cmpi slt, %sub3A_908, %sign3A_985 : i32
        %sign3A_987 = arith.extui %sign3A_986 : i1 to i32
        %sign3A_988 = arith.subi %sign3A_984, %sign3A_987 : i32
        %sign3A_989 = arith.constant 0 : i32
        %sign3A_990 = arith.cmpi sgt, %jit3A_980, %sign3A_989 : i32
        %sign3A_991 = arith.extui %sign3A_990 : i1 to i32
        %sign3A_992 = arith.constant 0 : i32
        %sign3A_993 = arith.cmpi slt, %jit3A_980, %sign3A_992 : i32
        %sign3A_994 = arith.extui %sign3A_993 : i1 to i32
        %sign3A_995 = arith.subi %sign3A_991, %sign3A_994 : i32
        %ne3A_996 = arith.cmpi ne, %sign3A_988, %sign3A_995 : i32
        %rem3A_997 = arith.remsi %sub3A_908, %jit3A_980 : i32
        %ne3A_998 = arith.constant 0 : i32
        %ne3A_999 = arith.cmpi ne, %rem3A_997, %ne3A_998 : i32
        %and3A_1000 = arith.andi %ne3A_996, %ne3A_999 : i1
        %sub3A_1001 = arith.constant 1 : i32
        %sub3A_1002 = arith.subi %div3A_981, %sub3A_1001 : i32
        %select_n3A_1003 = arith.select %and3A_1000, %sub3A_1002, %div3A_981 : i32
        %jit3A_1004 = arith.constant 2 : i32
        %eq3A_1005 = arith.constant 0 : i32
        %eq3A_1006 = arith.cmpi eq, %jit3A_1004, %eq3A_1005 : i32
        %jit3A_1007 = arith.constant 1 : i32
        %select_n3A_1008 = arith.select %eq3A_1006, %jit3A_1007, %jit3A_1004 : i32
        %rem3A_1009 = arith.remsi %select_n3A_1003, %select_n3A_1008 : i32
        %ne3A_1010 = arith.constant 0 : i32
        %ne3A_1011 = arith.cmpi ne, %rem3A_1009, %ne3A_1010 : i32
        %lt3A_1012 = arith.constant 0 : i32
        %lt3A_1013 = arith.cmpi slt, %rem3A_1009, %lt3A_1012 : i32
        %lt3A_1014 = arith.constant 0 : i32
        %lt3A_1015 = arith.cmpi slt, %select_n3A_1008, %lt3A_1014 : i32
        %ne3A_1016 = arith.xori %lt3A_1013, %lt3A_1015 : i1
        %and3A_1017 = arith.andi %ne3A_1016, %ne3A_1011 : i1
        %add3A_1018 = arith.addi %rem3A_1009, %select_n3A_1008 : i32
        %select_n3A_1019 = arith.select %and3A_1017, %add3A_1018, %rem3A_1009 : i32
        %jit3A_1020 = arith.constant 40 : i32
        %eq3A_1021 = arith.constant 0 : i32
        %eq3A_1022 = arith.cmpi eq, %jit3A_1020, %eq3A_1021 : i32
        %jit3A_1023 = arith.constant 1 : i32
        %select_n3A_1024 = arith.select %eq3A_1022, %jit3A_1023, %jit3A_1020 : i32
        %rem3A_1025 = arith.remsi %sub3A_908, %select_n3A_1024 : i32
        %ne3A_1026 = arith.constant 0 : i32
        %ne3A_1027 = arith.cmpi ne, %rem3A_1025, %ne3A_1026 : i32
        %lt3A_1028 = arith.constant 0 : i32
        %lt3A_1029 = arith.cmpi slt, %rem3A_1025, %lt3A_1028 : i32
        %lt3A_1030 = arith.constant 0 : i32
        %lt3A_1031 = arith.cmpi slt, %select_n3A_1024, %lt3A_1030 : i32
        %ne3A_1032 = arith.xori %lt3A_1029, %lt3A_1031 : i1
        %and3A_1033 = arith.andi %ne3A_1032, %ne3A_1027 : i1
        %add3A_1034 = arith.addi %rem3A_1025, %select_n3A_1024 : i32
        %select_n3A_1035 = arith.select %and3A_1033, %add3A_1034, %rem3A_1025 : i32
        %dma_start3A_1036 = arith.constant 0 : i32
        %dma_start3A_1037 = tpu.memref_slice %arg6[%select_n3A_1019, %select_n3A_1035, %dma_start3A_1036] : memref<2x40x128xi32, #tpu.memory_space<vmem>> -> memref<1x1x128xi32, #tpu.memory_space<vmem>>
        %dma_start3A_1038 = tpu.memref_squeeze %dma_start3A_1037 : memref<1x1x128xi32, #tpu.memory_space<vmem>> -> memref<128xi32, #tpu.memory_space<vmem>>
        %dma_start3A_1039 = arith.constant 0 : i32
        %dma_start3A_1040 = arith.constant 0 : i32
        %dma_start3A_1041 = tpu.memref_slice %arg4[%dma_start3A_1039, %dma_start3A_1040] : memref<100000x128xf32, #tpu.memory_space<hbm>> -> memref<100000x128xf32, #tpu.memory_space<hbm>>
        tpu.enqueue_indirect_dma source(%dma_start3A_1041 : memref<100000x128xf32, #tpu.memory_space<hbm>>) target(%arg9 : memref<128x128xf32, #tpu.memory_space<vmem>>) offsets(%dma_start3A_1038 : memref<128xi32, #tpu.memory_space<vmem>>) semaphore(%arg15 : memref<!tpu.dma_semaphore, #tpu.memory_space<semaphore_mem>>)
      } else {
      }
    }
    %scan3A_30 = arith.constant 50 : i32
    %dma_wait3A = arith.constant 0 : i32
    %dma_wait3A_31 = arith.constant 39 : i32
    %dma_wait3A_32 = arith.constant 0 : i32
    %dma_wait3A_33 = tpu.memref_slice %arg7[%dma_wait3A, %dma_wait3A_31, %dma_wait3A_32] : memref<2x40x128xi32, #tpu.memory_space<vmem>> -> memref<1x1x128xi32, #tpu.memory_space<vmem>>
    %dma_wait3A_34 = tpu.memref_squeeze %dma_wait3A_33 : memref<1x1x128xi32, #tpu.memory_space<vmem>> -> memref<128xi32, #tpu.memory_space<vmem>>
    %dma_wait3A_35 = arith.constant 0 : i32
    %dma_wait3A_36 = arith.constant 0 : i32
    %dma_wait3A_37 = tpu.memref_slice %arg13[%dma_wait3A_35, %dma_wait3A_36] : memref<2048x128xf32, #tpu.memory_space<vmem_shared>> -> memref<2048x128xf32, #tpu.memory_space<vmem_shared>>
    tpu.wait_indirect_dma semaphore(%arg21 : memref<!tpu.dma_semaphore, #tpu.memory_space<semaphore_mem>>) src(%arg11 : memref<128x128xf32, #tpu.memory_space<vmem>>) dst(%dma_wait3A_37 : memref<2048x128xf32, #tpu.memory_space<vmem_shared>>)
    %mul3A_38 = arith.constant 128 : i32
    %mul3A_39 = arith.muli %arg1, %mul3A_38 : i32
    %mul3A_40 = arith.constant 128 : i32
    %mul3A_41 = arith.muli %add3A, %mul3A_40 : i32
    "tpu.region"() ({
      %run_scoped3A_46 = tpu.sem_alloc : memref<!tpu.dma_semaphore, #tpu.memory_space<semaphore_mem>>
      %dma_start3A_47 = arith.constant 0 : i32
      %dma_start3A_48 = tpu.memref_slice %arg5[%mul3A_41, %dma_start3A_47] : memref<8192x128xf32, #tpu.memory_space<hbm>> -> memref<128x128xf32, #tpu.memory_space<hbm>>
      %dma_start3A_49 = arith.constant 0 : i32
      %dma_start3A_50 = tpu.memref_slice %arg13[%mul3A_39, %dma_start3A_49] : memref<2048x128xf32, #tpu.memory_space<vmem_shared>> -> memref<128x128xf32, #tpu.memory_space<vmem_shared>>
      tpu.enqueue_dma source(%dma_start3A_50 : memref<128x128xf32, #tpu.memory_space<vmem_shared>>) target(%dma_start3A_48 : memref<128x128xf32, #tpu.memory_space<hbm>>) target_semaphore(%run_scoped3A_46 : memref<!tpu.dma_semaphore, #tpu.memory_space<semaphore_mem>>)
      %dma_wait3A_51 = arith.constant 0 : i32
      %dma_wait3A_52 = tpu.memref_slice %arg5[%mul3A_41, %dma_wait3A_51] : memref<8192x128xf32, #tpu.memory_space<hbm>> -> memref<128x128xf32, #tpu.memory_space<hbm>>
      %dma_wait3A_53 = arith.constant 0 : i32
      %dma_wait3A_54 = tpu.memref_slice %arg13[%mul3A_39, %dma_wait3A_53] : memref<2048x128xf32, #tpu.memory_space<vmem_shared>> -> memref<128x128xf32, #tpu.memory_space<vmem_shared>>
      tpu.wait_dma2 semaphore(%run_scoped3A_46 : memref<!tpu.dma_semaphore, #tpu.memory_space<semaphore_mem>>) src(%dma_wait3A_54 : memref<128x128xf32, #tpu.memory_space<vmem_shared>>) dst(%dma_wait3A_52 : memref<128x128xf32, #tpu.memory_space<hbm>>)
      tpu.yield
    }) : () -> ()
    %mul3A_42 = arith.constant 128 : i32
    %mul3A_43 = arith.muli %add3A, %mul3A_42 : i32
    %add3A_44 = arith.constant 4096 : i32
    %add3A_45 = arith.addi %add3A_44, %mul3A_43 : i32
    "tpu.region"() ({
      %run_scoped3A_46 = tpu.sem_alloc : memref<!tpu.dma_semaphore, #tpu.memory_space<semaphore_mem>>
      %dma_start3A_47 = arith.constant 0 : i32
      %dma_start3A_48 = tpu.memref_slice %arg5[%add3A_45, %dma_start3A_47] : memref<8192x128xf32, #tpu.memory_space<hbm>> -> memref<128x128xf32, #tpu.memory_space<hbm>>
      %dma_start3A_49 = arith.constant 0 : i32
      %dma_start3A_50 = tpu.memref_slice %arg5[%add3A_45, %dma_start3A_49] : memref<8192x128xf32, #tpu.memory_space<hbm>> -> memref<128x128xf32, #tpu.memory_space<hbm>>
      tpu.enqueue_dma source(%arg12 : memref<128x128xf32, #tpu.memory_space<vmem>>) target(%dma_start3A_50 : memref<128x128xf32, #tpu.memory_space<hbm>>) target_semaphore(%run_scoped3A_46 : memref<!tpu.dma_semaphore, #tpu.memory_space<semaphore_mem>>)
      %dma_wait3A_51 = arith.constant 0 : i32
      %dma_wait3A_52 = tpu.memref_slice %arg5[%add3A_45, %dma_wait3A_51] : memref<8192x128xf32, #tpu.memory_space<hbm>> -> memref<128x128xf32, #tpu.memory_space<hbm>>
      %dma_wait3A_53 = arith.constant 0 : i32
      %dma_wait3A_54 = tpu.memref_slice %arg5[%add3A_45, %dma_wait3A_53] : memref<8192x128xf32, #tpu.memory_space<hbm>> -> memref<128x128xf32, #tpu.memory_space<hbm>>
      tpu.wait_dma2 semaphore(%run_scoped3A_46 : memref<!tpu.dma_semaphore, #tpu.memory_space<semaphore_mem>>) src(%arg12 : memref<128x128xf32, #tpu.memory_space<vmem>>) dst(%dma_wait3A_54 : memref<128x128xf32, #tpu.memory_space<hbm>>)
      tpu.yield
    }) : () -> ()
    return
  }
}

</mosaic_0001>

<sc_bundles>
// kernel: _sc_pool.3.cloned.1.call-start
scs
__scs_entry_jumppad:
0x0: {  	(pc) =	sbr.rel $0x88, $3  }
0x1: {  	(tag) =	ssettag $0x0;
	lr =	simm.s32 $0x1  }
0x2: {  	[smem:$0x3F9E] =	sst lr;
	_ =	strace $0xD0000000  }
0x3: {  	_ = 	snop  }
0x4: {  	_ = 	snop  }
0x5: {  	_ = 	snop  }
0x6: {  	_ = 	snop  }
0x7: {  	_ = 	snop  }
__scs_overlays_trampoline_lowered:
0x8: {  	[smem:$0x3FAD] =	sst s0  }
0x9: {  	[smem:$0x3FAE] =	sst s1  }
0xa: {  	[smem:$0x3FAF] =	sst s2  }
0xb: {  	[smem:$0x3FB0] =	sst s3  }
0xc: {  	[smem:$0x3FB1] =	sst s4  }
0xd: {  	[smem:$0x3FB2] =	sst s5  }
0xe: {  	[smem:$0x3FB3] =	sst s6  }
0xf: {  	[smem:$0x3FB4] =	sst s7  }
0x10: {  	[smem:$0x3FB5] =	sst s8  }
0x11: {  	[smem:$0x3FB6] =	sst s9;
	s0 =	simm.s32 @!p0 $0x0  }
0x12: {  	s1 =	sld [smem:$0x3F9C];
	s0 =	simm.s32 @p0 $0x1  }
0x13: {  	[smem:$0x3FB7] =	sst s0;
	s0 =	simm.s32 @!p1 $0x0  }
0x14: {  	s2 =	sld [smem:$0x3F9B];
	s0 =	simm.s32 @p1 $0x1  }
0x15: {  	[smem:$0x3FB8] =	sst s0;
	s0 =	simm.s32 @!p2 $0x0  }
0x16: {  	s3 =	sld [smem:$0x3FDB];
	s0 =	simm.s32 @p2 $0x1  }
0x17: {  	s4 =	simm.s32 $0x1BF5;
	[smem:$0x3FBA] =	sst s0  }
0x18: {  	s0 =	sld [smem:$0x3F9D];
	_ =	swait.ge [sflag:s4], $0x0  }
0x19: {  	s7 =	sld [smem:$0x3F9E]  }
0x1a: {  	s8 =	sadd.s32 $0xFFFFE003, lr  }
0x1b: {  	s9 =	sadd.s32 $0xFFFFFEF7, lr;
	s5 =	simm.s32 $0xFFFFFFFF;
	p2 =	slt.u32 s8, $0xFFFFF086  }
0x1c: {  	p1 =	slt.u32 s9, $0xF7A;
	s5 =	simm.s32 @!p2 $0x0  }
0x1d: {  	s5 =	simm.s32 @p1 $0x1;
	p0 =	seq.s32 s7, s2  }
0x1e: {  	s7 =	smul.u32 @!p0 $0xF7A, s2;
	p2 =	seq.s32 @!p0 s5, $0x0  }
0x1f: {  	s9 =	smul.u32 $0xF7A, s1;
	s8 =	simm.s32 @!p0 $0x1BF5;
	p2 =	por !p2, p0  }
0x20: {  	[sflag:s8] =	ssyncset.s32 @!p0 $0xFFFFF086;
	s6 =	sadd.s32 @!p0 s3, s7;
	s7 =	simm.s32 @!p0 $0x108  }
0x21: {  	s3 =	sadd.s32 s3, s9;
	s6 =	sadd.s32 @!p0 $0x88, s6;
	s7 =	simm.s32 @p2 $0x1082  }
0x22: {  	[simem:s7], [sflag:s8] =	dma.local @!p0 [hbm:s6], $0xF7A  }
0x23: {  	s9 =	sor.u32 $0xD0000000, s2;
	s6 =	simm.s32 $0x108;
	_ =	swait.ge @!p0 [sflag:s8], $0x0  }
0x24: {  	s3 =	sadd.s32 $0x88, s3;
	s6 =	simm.s32 @!p1 $0x1082;
	[sflag:s4] =	ssyncset.s32 $0xFFFFF086  }
0x25: {  	[simem:s6], [sflag:s4] =	dma.local [hbm:s3], $0xF7A  }
0x26: {  	[smem:$0x3F9E] =	sst s1;
	(tag) =	ssettag s2;
	_ =	strace s9  }
0x27: {  	s1 =	sld [smem:$0x3FAE]  }
0x28: {  	s2 =	sld [smem:$0x3FAF]  }
0x29: {  	s4 =	sld [smem:$0x3FB1]  }
0x2a: {  	p0 =	seq.s32 s5, $0x0;
	s5 =	sld [smem:$0x3FB2]  }
0x2b: {  	s6 =	sld [smem:$0x3FB3]  }
0x2c: {  	s7 =	sld [smem:$0x3FB4]  }
0x2d: {  	s3 =	simm.s32 $0x108;
	s8 =	sld [smem:$0x3FB5]  }
0x2e: {  	s3 =	simm.s32 @!p0 $0x1082;
	s9 =	sld [smem:$0x3FB6]  }
0x2f: {  	lr =	sadd.s32 s0, s3;
	s0 =	sld [smem:$0x3FAD]  }
0x30: {  	s3 =	sld [smem:$0x3FB0]  }
0x31: {  	[smem:$0x3FB9] =	sst s10  }
0x32: {  	s10 =	sld [smem:$0x3FB7];
	_ =	sdelay $0x3  }
0x33: {  	p0 =	seq.s32 s10, $0x1;
	s10 =	sld [smem:$0x3FB9];
	_ =	sdelay $0x3  }
0x34: {  	[smem:$0x3FB9] =	sst s10  }
0x35: {  	s10 =	sld [smem:$0x3FB8];
	_ =	sdelay $0x3  }
0x36: {  	p1 =	seq.s32 s10, $0x1;
	s10 =	sld [smem:$0x3FB9];
	_ =	sdelay $0x3  }
0x37: {  	[smem:$0x3FB9] =	sst s10  }
0x38: {  	s10 =	sld [smem:$0x3FBA]  }
0x39: {  	_ = 	snop;
	(pc) =	sbr.ind lr, $3  }
0x3a: {  	_ = 	snop  }
0x3b: {  	_ = 	snop  }
0x3c: {  	p2 =	seq.s32 s10, $0x1;
	s10 =	sld [smem:$0x3FB9]  }
0x3d: {  	_ =	shalt  }
0x3e: {  	_ =	shalt  }
0x3f: {  	_ =	shalt  }
0x40: {  	_ =	shalt  }
0x41: {  	_ =	shalt  }
0x42: {  	_ =	shalt  }
0x43: {  	_ =	shalt  }
0x44: {  	_ =	shalt  }
0x45: {  	_ =	shalt  }
0x46: {  	_ =	shalt  }
0x47: {  	_ =	shalt  }
0x48: {  	_ =	shalt  }
0x49: {  	_ =	shalt  }
0x4a: {  	_ =	shalt  }
0x4b: {  	_ =	shalt  }
0x4c: {  	_ =	shalt  }
0x4d: {  	_ =	shalt  }
0x4e: {  	_ =	shalt  }
0x4f: {  	_ =	shalt  }
0x50: {  	_ =	shalt  }
0x51: {  	_ =	shalt  }
0x52: {  	_ =	shalt  }
0x53: {  	_ =	shalt  }
0x54: {  	_ =	shalt  }
0x55: {  	_ =	shalt  }
0x56: {  	_ =	shalt  }
0x57: {  	_ =	shalt  }
0x58: {  	_ =	shalt  }
0x59: {  	_ =	shalt  }
0x5a: {  	_ =	shalt  }
0x5b: {  	_ =	shalt  }
0x5c: {  	_ =	shalt  }
0x5d: {  	_ =	shalt  }
0x5e: {  	_ =	shalt  }
0x5f: {  	_ =	shalt  }
0x60: {  	_ =	shalt  }
0x61: {  	_ =	shalt  }
0x62: {  	_ =	shalt  }
0x63: {  	_ =	shalt  }
0x64: {  	_ =	shalt  }
0x65: {  	_ =	shalt  }
0x66: {  	_ =	shalt  }
0x67: {  	_ =	shalt  }
0x68: {  	_ =	shalt  }
0x69: {  	_ =	shalt  }
0x6a: {  	_ =	shalt  }
0x6b: {  	_ =	shalt  }
0x6c: {  	_ =	shalt  }
0x6d: {  	_ =	shalt  }
0x6e: {  	_ =	shalt  }
0x6f: {  	_ =	shalt  }
0x70: {  	_ =	shalt  }
0x71: {  	_ =	shalt  }
0x72: {  	_ =	shalt  }
0x73: {  	_ =	shalt  }
0x74: {  	_ =	shalt  }
0x75: {  	_ =	shalt  }
0x76: {  	_ =	shalt  }
0x77: {  	_ =	shalt  }
0x78: {  	_ =	shalt  }
0x79: {  	_ =	shalt  }
0x7a: {  	_ =	shalt  }
0x7b: {  	_ =	shalt  }
0x7c: {  	_ =	shalt  }
0x7d: {  	_ =	shalt  }
0x7e: {  	_ =	shalt  }
0x7f: {  	_ =	shalt  }
0x80: {  	_ =	shalt  }
0x81: {  	_ =	shalt  }
0x82: {  	_ =	shalt  }
0x83: {  	_ =	shalt  }
0x84: {  	_ =	shalt  }
0x85: {  	_ =	shalt  }
0x86: {  	_ =	shalt  }
0x87: {  	_ =	shalt  }
.Lfunc_end0:
.L_simem_size_0:
called_computation_lowered:
.L_overlay_start_0:
0x88: {  	s2 =	sld [smem:$0x3FD9]  }
0x89: {  	s3 =	sld [smem:$0x3FFE];
	_ =	sdelay $0x1  }
0x8a: {  	s1 =	srdreg.scid  }
0x8b: {  	s0 =	sand.u32 $0x1, s1  }
0x8c: {  	s18 =	sshll.u32 s0, $0xA;
	s2 =	sadd.s32 s3, s2  }
0x8d: {  	s2 =	sadd.s32 s2, s18  }
0x8e: {  	[smem:$0x3FC5] =	sst s2  }
0x8f: {  	_ = 	snop  }
0x90: {  	s2 =	sld [smem:$0x3FC9]  }
0x91: {  	s19 =	sld [smem:$0x3FC8]  }
0x92: {  	s4 =	sld [smem:$0x3FC7]  }
0x93: {  	s5 =	sld [smem:$0x3FD0];
	(tm) =	ssettm $0x1  }
0x94: {  	s6 =	sld [smem:$0x3FFB];
	_ =	sdelay $0x3  }
0x95: {  	_ =	strace s6  }
0x96: {  	s6 =	sld [smem:$0x3FFC];
	_ =	sdelay $0x3  }
0x97: {  	_ =	strace s6  }
0x98: {  	s6 =	sld [smem:$0x3FFD];
	_ =	sdelay $0x3  }
0x99: {  	_ =	strace s6  }
0x9a: {  	_ =	strace $0x8FFFFFFF  }
0x9b: {  	s20 =	sld [smem:$0x3FDB];
	_ =	sdelay $0x1  }
0x9c: {  	s7 =	simm.s32 $_scs_section_size  }
0x9d: {  	s8 =	simm.s32 $_size__tile_overlayer_lowered;
	s9 =	simm.s32 $_tile_overlayer_lowered  }
0x9e: {  	s23 =	simm.s32 $0x1BFF;
	s22 =	sshll.u32 s9, $0x1;
	s6 =	sadd.s32 s7, s20  }
0x9f: {  	s10 =	simm.s32 $0x0;
	s21 =	sshll.u32 s8, $0x1;
	s8 =	sadd.s32 s22, s6  }
0xa0: {  	[timem:s10], [sflag:s23] =	dma.local [hbm:s8], s21  }
0xa1: {  	_ =	swait.ge [sflag:s23], s21  }
0xa2: {  	s7 =	ssub.s32 $0x0, s21;
	[sflag:s23] =	ssyncset.done $0x0  }
0xa3: {  	[sflag:s23] =	ssyncadd.s32 s7;
	_ =	sdelay $0x1  }
0xa4: {  	s24 =	simm.s32 $0x1B8B  }
0xa5: {  	_ =	swait.ge [sflag:s24], $0x1  }
0xa6: {  	[sflag:s24] =	ssyncset.done $0x0  }
0xa7: {  	s25 =	simm.s32 $0x1B8E;
	[sflag:s24] =	ssyncadd.s32 $0xFFFFFFFF  }
0xa8: {  	s26 =	simm.s32 $execute0_lowered;
	[smem:$0x3FD2] =	sst s25  }
0xa9: {  	s7 =	sshll.u32 s26, $0x1;
	_ =	strace $0x80000046;
	[dreg:$0x1] =	wrdreg $0xFFFFFFFF  }
0xaa: {  	s28 =	simm.s32 $_size_execute0_lowered;
	s6 =	sadd.s32 s6, s7;
	[dreg:$0x0] =	wrdreg $0x0  }
0xab: {  	s7 =	sshll.u32 s28, $0x1;
	[dreg:$0x2] =	wrdreg s6  }
0xac: {  	[dreg:$0x3] =	wrdreg s7  }
0xad: {  	[dreg:$0x4] =	wrdreg $0xC0  }
0xae: {  	_ =	task [dreg:s10], $0x5FFFF  }
0xaf: {  	[dreg:$0x1] =	wrdreg $0xFFFFFFFF  }
0xb0: {  	[dreg:$0x0] =	wrdreg $0x60  }
0xb1: {  	[dreg:$0x2] =	wrdreg s2  }
0xb2: {  	[dreg:$0x3] =	wrdreg s19  }
0xb3: {  	[dreg:$0x4] =	wrdreg s4  }
0xb4: {  	[dreg:$0x5] =	wrdreg s5  }
0xb5: {  	[dreg:$0x6] =	wrdreg $0x190000  }
0xb6: {  	[dreg:$0x7] =	wrdreg $0x9  }
0xb7: {  	_ =	task.clear_ibuf [dreg:s10], $0x8FFFF;
	_ =	strace $0x90000046  }
0xb8: {  	s29 =	simm.s32 $0x9;
	_ =	strace $0x80000048  }
0xb9: {  	_ =	swait.ge [sflag:s29], $0x1  }
0xba: {  	[sflag:s29] =	ssyncadd.s32 $0xFFFFFFFF  }
0xbb: {  	_ =	strace $0x90000048  }
0xbc: {  	_ =	sfence  }
0xbd: {  	s30 =	sld [smem:$0x0];
	_ =	sdelay $0x2  }
0xbe: {  	s31 =	sshll.u32 s1, $0xD;
	s1 =	sshrl.u32 s1, $0x2  }
0xbf: {  	s3 =	sand.u32 $0x4000, s31;
	s1 =	sadd.s32 s1, s30  }
0xc0: {  	s0 =	sor.u32 s3, s0;
	s1 =	sshll.u32 s1, $0x11  }
0xc1: {  	s0 =	sor.u32 s1, s0  }
0xc2: {  	s0 =	sadd.s32 $0x8F2B, s0  }
0xc3: {  	[sflag:s0] =	ssyncadd.remote.s32 $0x1  }
0xc4: {  	_ =	sfence.sel $0xFFFF  }
0xc5: {  	[dreg:$0x0] =	wrdreg $0xFFFFFFFF;
	(pc) =	sbr.abs _section_cstart, $3  }
0xc6: {  	[dreg:$0x1] =	wrdreg $0xFFFFFFFF  }
0xc7: {  	_ =	task.clear_ibuf [dreg:s10], $0x2FFFF;
	_ =	strace $0x9FFFFFFF  }
0xc8: {  	(tm) =	ssettm $0x7FFFFFFF  }
0xc9: {  	_ =	shalt  }
tec
execute0_lowered:
.L_overlay_start_1:
0x0: {  	(tag) =	ssettag $0x1  }
0x1: {  	s0 =	rddreg [dreg:$0x0]  }
0x2: {  	s1 =	rddreg [dreg:$0x1]  }
0x3: {  	s2 =	rddreg [dreg:$0x2]  }
0x4: {  	s3 =	srdreg.scid;
	s4 =	rddreg [dreg:$0x3]  }
0x5: {  	s5 =	rddreg [dreg:$0x4];
	s10 =	stileid.u32;
	s11 =	simm.s32 $0x0  }
0x6: {  	s18 =	simm.s32 $0x80;
	s20 =	simm.s32 $0x9000;
	s21 =	simm.s32 $0x1  }
0x7: {  	s22 =	simm.s32 $0xD000;
	s23 =	simm.s32 $0x2;
	s24 =	simm.s32 $0x11000  }
0x8: {  	s25 =	simm.s32 $0x3;
	s26 =	simm.s32 $0x4;
	s3 =	sand.u32 $0x1, s3  }
0x9: {  	s29 =	simm.s32 $0x5;
	[smem:$0x7FF] =	sst s11;
	s6 =	sshll.u32 s3, $0x4  }
0xa: {  	s8 =	smul.u32 $0x6400, s10;
	s3 =	ssub.s32 $0x2, s3;
	s6 =	sor.u32 s10, s6  }
0xb: {  	s9 =	sshrl.u32 s3, $0x1;
	s7 =	smul.u32 $0x6400, s6;
	s6 =	sshll.u32 s6, $0xB  }
0xc: {  	_ =	strace $0x80000047;
	s3 =	ssub.s32 s3, s9;
	s4 =	sadd.s32 s4, s6  }
0xd: {  	s3 =	smax.u32 s3, $0x1;
	s28 =	sshrl.u32 s7, $0x3;
	[dreg:$0x8] =	wrdreg s4  }
.Ltmp0:
0xe: {  	s4 =	sadd.s32 $0x10000, s4;
	[dreg:$0xb] =	wrdreg s3;
	(pc) =	sbr.rel .LBB2_1-.Ltmp0, $4  }
0xf: {  	s30 =	sshrl.u32 s8, $0x3;
	s9 =	sadd.s32 s0, s28;
	[dreg:$0xa] =	wrdreg s4  }
0x10: {  	s31 =	sshll.u32 s10, $0xE;
	[dreg:$0x6] =	wrdreg s9;
	s9 =	sadd.s32 s1, s30  }
0x11: {  	s10 =	simm.s32 $0x15000;
	[dreg:$0x7] =	wrdreg s9;
	s9 =	sadd.s32 s31, s5  }
0x12: {  	v0 =	vimm.f32 $0.0e+00;
	s6 =	simm.s32 $0x8;
	s4 =	simm.s32 $0x0;
	[dreg:$0x9] =	wrdreg s9  }
.LBB2_30:
0x13: {  	s4 =	simm.s32 $0x6;
	s3 =	stileid.u32  }
0x14: {  	_ =	swait.ge [sflag:s4], $0x4000;
	s3 =	sshll.u32 s3, $0x6  }
0x15: {  	[sflag:s4] =	ssyncset.done $0x0;
	s3 =	sor.u32 $0x1C08, s3;
	s9 =	rddreg [dreg:$0x9]  }
0x16: {  	s6 =	rddreg [dreg:$0x8];
	[sflag:s4] =	ssyncadd.s32 $0xFFFFC000;
	s19 =	sshrl.u32 s9, $0x3  }
0x17: {  	[hbm:s6], [sflag:s3] =	dma.local [spmem:s19], $0x800  }
0x18: {  	s6 =	simm.s32 $0x8  }
0x19: {  	_ =	swait.ge [sflag:s6], $0x800  }
0x1a: {  	s11 =	simm.s32 $0x0;
	[sflag:s6] =	ssyncset.done $0x0  }
0x1b: {  	s10 =	simm.s32 $0x15000;
	s28 =	rddreg [dreg:$0xa];
	[sflag:s6] =	ssyncadd.s32 $0xFFFFF800  }
0x1c: {  	[hbm4b:s28+s11] =	stream.linear.scatter [tilespmem:s10], [sflag:$0x8], $0x4000, $0x38;
	[tilespmem:$0x1D000] =	vst v63  }
0x1d: {  	_ =	swait.ge [sflag:s6], $0x4000  }
0x1e: {  	s30 =	rddreg [dreg:$0xc]  }
0x1f: {  	s31 =	rddreg [dreg:$0xb];
	s4 =	sadd.s32 $0x1, s30  }
0x20: {  	p0 =	sne.s32 s4, s31  }
.Ltmp1:
0x21: {  	_ = 	snop;
	(pc) =	sbr.rel @!p0 .LBB2_31-.Ltmp1, $3  }
0x22: {  	_ =	sdelay $0x1  }
0x23: {  	[sflag:s6] =	ssyncset.done $0x0  }
0x24: {  	[sflag:s6] =	ssyncadd.s32 $0xFFFFC000  }
.LBB2_1:
0x25: {  	[dreg:$0xc] =	wrdreg s4  }
0x26: {  	s3 =	rddreg [dreg:$0x6]  }
0x27: {  	[tilespmem:s11], [sflag:$0x8] =	stream.linear.gather [hbm4b:s3+s11], $0x1400, $0x38;
	[tilespmem:$0x1D000] =	vst v63  }
0x28: {  	_ =	swait.ge [sflag:s6], $0x1400  }
0x29: {  	[sflag:s6] =	ssyncset.done $0x0  }
0x2a: {  	s31 =	simm.s32 $0x2800;
	s30 =	rddreg [dreg:$0x7];
	[sflag:s6] =	ssyncadd.s32 $0xFFFFEC00  }
0x2b: {  	[tilespmem:s31], [sflag:$0x8] =	stream.linear.gather [hbm4b:s30+s11], $0x1400, $0x38;
	[tilespmem:$0x1D000] =	vst v63  }
0x2c: {  	_ =	swait.ge [sflag:s6], $0x1400  }
0x2d: {  	[sflag:s6] =	ssyncset.done $0x0  }
0x2e: {  	s4 =	simm.s32 $0x200;
	s3 =	simm.s32 $0x0;
	[sflag:s6] =	ssyncadd.s32 $0xFFFFEC00  }
.LBB2_2:
0x2f: {  	p0 =	sne.s32 s4, $0xFE00;
	[tilespmem:s3+$0x15070] =	vst v0  }
0x30: {  	[tilespmem:s3+$0x15000] =	vst v0  }
0x31: {  	[tilespmem:s3+$0x15010] =	vst v0  }
.Ltmp2:
0x32: {  	[tilespmem:s3+$0x15020] =	vst v0;
	(pc) =	sbr.rel @p0 .LBB2_2-.Ltmp2, $4  }
0x33: {  	[tilespmem:s3+$0x15030] =	vst v0  }
0x34: {  	[tilespmem:s3+$0x15040] =	vst v0  }
0x35: {  	[tilespmem:s3+$0x15050] =	vst v0  }
0x36: {  	[tilespmem:s3+$0x15060] =	vst v0;
	s3 =	sshra.s32 s4, $0x2;
	s4 =	sadd.s32 $0x200, s4  }
0x37: {  	[tilespmem:s3+$0x15070] =	vst v0  }
0x38: {  	[tilespmem:s3+$0x15000] =	vst v0  }
0x39: {  	[tilespmem:s3+$0x15010] =	vst v0  }
0x3a: {  	[tilespmem:s3+$0x15020] =	vst v0  }
0x3b: {  	[tilespmem:s3+$0x15030] =	vst v0  }
0x3c: {  	[tilespmem:s3+$0x15040] =	vst v0  }
0x3d: {  	[tilespmem:s3+$0x15050] =	vst v0  }
0x3e: {  	[tilespmem:s3+$0x15060] =	vst v0  }
0x3f: {  	[spmem:s9] =	stream.linear.scatter [tilespmem:s10], [sflag:$0x8], $0x4000, $0x38;
	[tilespmem:$0x1D000] =	vst v63  }
0x40: {  	_ =	swait.ge [sflag:s6], $0x4000  }
0x41: {  	s31 =	simm.s32 $0x0;
	[sflag:s6] =	ssyncset.done $0x0  }
0x42: {  	s30 =	simm.s32 $0x5000;
	s3 =	simm.s32 $0xC8;
	[sflag:s6] =	ssyncadd.s32 $0xFFFFC000  }
0x43: {  	[tilespmem:s30], [sflag:$0x1] =	stream.indirect.gather [hbm4b:s2+s18], $0x80, s31, s18, $0xb8;
	[tilespmem:$0x1D000] =	vst v63  }
0x44: {  	s16 =	simm.s32 $0xFFFFFFC8;
	s19 =	simm.s32 $0x100;
	s4 =	simm.s32 $0x0  }
0x45: {  	[tilespmem:s20], [sflag:$0x2] =	stream.indirect.gather [hbm4b:s2+s18], $0x80, s18, s18, $0xb8;
	[tilespmem:$0x1D000] =	vst v63  }
.LBB2_4:
0x46: {  	s6 =	smul.u32 $0x334, s4;
	_ =	sdelay $0x1  }
0x47: {  	s6 =	sshrl.u32 s6, $0xD  }
0x48: {  	s6 =	sand.u32 $0x7, s6  }
0x49: {  	s6 =	smul.u32 $0x28, s6  }
0x4a: {  	s17 =	sshll.u32 s4, $0x2  }
0x4b: {  	p0 =	seq.s32 s4, $0x0;
	s6 =	ssub.s32 s17, s6  }
0x4c: {  	s6 =	sand.u32 @!p0 $0xFF, s6  }
0x4d: {  	s9 =	sor.u32 $0x2, s17;
	p1 =	sne.s32 @!p0 s6, $0x0  }
0x4e: {  	s10 =	smul.u32 $0xCD, s9;
	p1 =	por p1, p0  }
0x4f: {  	s6 =	simm.s32 @!p1 $0x7  }
0x50: {  	s11 =	smul.u32 $0xCD, s4;
	s10 =	sshrl.u32 s10, $0xD;
	_ =	swait.ge @!p1 [sflag:s6], $0x1400  }
0x51: {  	s12 =	sshll.u32 s4, $0x6;
	s10 =	sand.u32 $0x7, s10;
	[sflag:s6] =	ssyncset.done @!p1 $0x0  }
0x52: {  	s12 =	sand.u32 $0x1FC0, s12;
	s10 =	smul.u32 $0x28, s10;
	[sflag:s6] =	ssyncadd.s32 @!p1 $0xFFFFEC00  }
0x53: {  	s14 =	sshrl.u32 s11, $0xB;
	s12 =	smul.u32 $0x147B, s12;
	_ =	swait.ge @!p1 [sflag:s6], $0x1400  }
0x54: {  	s30 =	sand.u32 $0x1, s14;
	s11 =	ssub.s32 s9, s10;
	[sflag:s6] =	ssyncset.done @!p1 $0x0  }
0x55: {  	s12 =	sshrl.u32 s12, $0x11;
	s10 =	sand.u32 $0xFF, s11;
	[sflag:s6] =	ssyncadd.s32 @!p1 $0xFFFFEC00  }
0x56: {  	p1 =	seq.s32 s30, $0x1;
	s6 =	simm.s32 $0x1400;
	_ =	swait.ge [sflag:s21], $0x4000  }
0x57: {  	s10 =	sshll.u32 s10, $0x7;
	s6 =	simm.s32 @!p1 $0x0;
	[sflag:s21] =	ssyncset.done $0x0  }
0x58: {  	s15 =	smul.u32 $0xC8, s12;
	s10 =	sadd.s32 s10, s6;
	[sflag:s21] =	ssyncadd.s32 $0xFFFFC000  }
0x59: {  	[tilespmem:s22], [sflag:$0x3] =	stream.indirect.gather [hbm4b:s2+s18], $0x80, s10, s18, $0xb8;
	[tilespmem:$0x1D000] =	vst v63  }
0x5a: {  	s10 =	sshll.u32 s4, $0x9  }
0x5b: {  	s15 =	ssub.s32 s15, s10  }
0x5c: {  	s28 =	sadd.s32 $0xC8, s15  }
0x5d: {  	s13 =	smulhi.u32 $0x51EB851F, s31;
	p1 =	slt.s32 s28, $0x1  }
.Ltmp3:
0x5e: {  	_ = 	snop;
	(pc) =	sbr.rel @p1 .LBB2_11-.Ltmp3, $4  }
0x5f: {  	s13 =	sshrl.u32 s13, $0x6  }
0x60: {  	v1 =	vimm.f32 $0.0e+00;
	v9 =	vimm.f32 $0.0e+00;
	v4 =	vimm.f32 $0.0e+00;
	s13 =	smul.u32 $0xC8, s13  }
0x61: {  	v5 =	vimm.f32 $0.0e+00;
	v3 =	vimm.f32 $0.0e+00;
	v6 =	vimm.f32 $0.0e+00  }
0x62: {  	v7 =	vimm.f32 $0.0e+00;
	v8 =	vimm.f32 $0.0e+00;
	v2 =	vimm.f32 $0.0e+00;
	s13 =	sadd.s32 s13, s3  }
0x63: {  	p1 =	sgt.s32 s13, $0x1;
	s15 =	smov.u32 s13  }
0x64: {  	s15 =	simm.s32 @!p1 $0x1  }
0x65: {  	s15 =	smin.u32 s15, $0x80  }
0x66: {  	p2 =	sne.s32 s15, $0x1  }
.Ltmp4:
0x67: {  	_ = 	snop;
	(pc) =	sbr.rel @!p2 .LBB2_6-.Ltmp4, $3  }
0x68: {  	_ =	sdelay $0x1  }
0x69: {  	s30 =	simm.s32 $0x5040  }
0x6a: {  	v3 =	vld [tilespmem:s30+$0x30];
	p1 =	por $0x0, $0x0;
	s15 =	sadd.s32 $0xFFFFFFFF, s15  }
0x6b: {  	v4 =	vld [tilespmem:s30+$0xFFFFFFD0]  }
0x6c: {  	v5 =	vld [tilespmem:s30+$0xFFFFFFE0]  }
0x6d: {  	v6 =	vld [tilespmem:s30+$0xFFFFFFF0];
	p2 =	sne.s32 s15, $0x1  }
.Ltmp5:
0x6e: {  	v8 =	vld [tilespmem:s30+$0x0];
	(pc) =	sbr.rel @!p2 .LBB2_8-.Ltmp5, $4  }
0x6f: {  	v9 =	vld [tilespmem:s30+$0x10]  }
0x70: {  	v10 =	vld [tilespmem:s30+$0x20];
	v7 =	vimm.f32 $0.0e+00;
	v11 =	vimm.f32 $0.0e+00  }
0x71: {  	v12 =	vld [tilespmem:s30+$0xFFFFFFC0];
	s30 =	simm.s32 $0x50C0;
	v13 =	vimm.f32 $0.0e+00;
	v2 =	vadd.f32 v3, v1;
	v4 =	vadd.f32 v4, v1  }
0x72: {  	s15 =	sadd.s32 $0xFFFFFFFF, s15;
	p1 =	por $0x1, $0x1;
	v14 =	vimm.f32 $0.0e+00;
	v3 =	vld [tilespmem:s30+$0x30];
	v5 =	vadd.f32 v5, v1;
	v6 =	vadd.f32 v6, v1  }
.LBB2_9:
0x73: {  	p2 =	sne.s32 s15, $0x1;
	v15 =	vld [tilespmem:s30+$0xFFFFFFD0];
	v7 =	vadd.f32 v8, v7  }
0x74: {  	v16 =	vld [tilespmem:s30+$0xFFFFFFE0];
	v11 =	vadd.f32 v9, v11  }
0x75: {  	v17 =	vld [tilespmem:s30+$0xFFFFFFF0];
	v13 =	vadd.f32 v10, v13  }
.Ltmp6:
0x76: {  	v8 =	vld [tilespmem:s30+$0x0];
	v14 =	vadd.f32 v12, v14;
	(pc) =	sbr.rel @p2 .LBB2_9-.Ltmp6, $4  }
0x77: {  	v9 =	vld [tilespmem:s30+$0x10];
	v2 =	vadd.f32 v3, v2  }
0x78: {  	v4 =	vadd.f32 v15, v4;
	v10 =	vld [tilespmem:s30+$0x20]  }
0x79: {  	v12 =	vld [tilespmem:s30+$0xFFFFFFC0];
	v5 =	vadd.f32 v16, v5;
	s30 =	sadd.s32 $0x80, s30  }
0x7a: {  	s15 =	sadd.s32 $0xFFFFFFFF, s15;
	v3 =	vld [tilespmem:s30+$0x30];
	v6 =	vadd.f32 v17, v6  }
.LBB2_10:
0x7b: {  	v15 =	vld [tilespmem:s30+$0xFFFFFFD0]  }
0x7c: {  	v16 =	vld [tilespmem:s30+$0xFFFFFFE0]  }
0x7d: {  	v17 =	vld [tilespmem:s30+$0xFFFFFFF0]  }
0x7e: {  	v18 =	vld [tilespmem:s30+$0x0]  }
0x7f: {  	v19 =	vld [tilespmem:s30+$0x10]  }
0x80: {  	v7 =	vadd.f32 @p1 v8, v7;
	v63 =	vld [tilespmem:s30+$0xFFFFFFC0];
	v8 =	vadd.f32 @p1 v9, v11  }
0x81: {  	v9 =	vld [tilespmem:s30+$0x20];
	v10 =	vadd.f32 @p1 v10, v13;
	v11 =	vadd.f32 @p1 v12, v14  }
0x82: {  	v2 =	vadd.f32 v3, v2;
	v4 =	vadd.f32 v15, v4  }
0x83: {  	v5 =	vadd.f32 v16, v5;
	v3 =	vadd.f32 v17, v6  }
0x84: {  	v6 =	vpsel p1, v7, v1;
	v7 =	vpsel p1, v8, v1;
	v8 =	vpsel p1, v10, v1  }
0x85: {  	v10 =	vpsel p1, v11, v1;
	v6 =	vadd.f32 v18, v6;
	v7 =	vadd.f32 v19, v7  }
0x86: {  	v8 =	vadd.f32 v9, v8;
	v9 =	vadd.f32 v63, v10  }
.LBB2_11:
0x87: {  	s12 =	sshll.u32 s12, $0x7  }
0x88: {  	v10 =	vld [tilespmem:s12+$0x15000]  }
0x89: {  	v11 =	vld [tilespmem:s12+$0x15010]  }
0x8a: {  	v12 =	vld [tilespmem:s12+$0x15020]  }
0x8b: {  	v13 =	vld [tilespmem:s12+$0x15030]  }
0x8c: {  	v14 =	vld [tilespmem:s12+$0x15040]  }
0x8d: {  	v60 =	vld [tilespmem:s12+$0x15060];
	v9 =	vadd.f32 v10, v9  }
0x8e: {  	v61 =	vld [tilespmem:s12+$0x15070];
	v4 =	vadd.f32 v11, v4  }
0x8f: {  	v59 =	vld [tilespmem:s12+$0x15050];
	v5 =	vadd.f32 v12, v5;
	[tilespmem:s12+$0x15000] =	vst v9  }
0x90: {  	v3 =	vadd.f32 v13, v3;
	[tilespmem:s12+$0x15010] =	vst v4  }
0x91: {  	p1 =	sgt.s32 s28, $0x7F;
	v62 =	vadd.f32 v14, v6;
	[tilespmem:s12+$0x15020] =	vst v5  }
.Ltmp7:
0x92: {  	v63 =	vadd.f32 v60, v8;
	[tilespmem:s12+$0x15030] =	vst v3;
	(pc) =	sbr.rel @p1 .LBB2_12-.Ltmp7, $4  }
0x93: {  	v2 =	vadd.f32 v61, v2;
	[tilespmem:s12+$0x15040] =	vst v62  }
0x94: {  	v3 =	vadd.f32 v59, v7;
	[tilespmem:s12+$0x15060] =	vst v63  }
0x95: {  	[tilespmem:s12+$0x15070] =	vst v2  }
0x96: {  	[tilespmem:s12+$0x15050] =	vst v3  }
0x97: {  	p1 =	slt.s32 s13, $0x80  }
0x98: {  	s13 =	simm.s32 @!p1 $0x80  }
0x99: {  	s12 =	sshll.u32 s13, $0x9  }
0x9a: {  	s12 =	sshra.s32 s12, $0x2  }
0x9b: {  	s15 =	sadd.s32 $0x5040, s12  }
0x9c: {  	s30 =	sadd.s32 $0xFFFFFFFF, s13;
	v2 =	vld [tilespmem:s15+$0x30]  }
0x9d: {  	s12 =	sadd.s32 $0x1, s30;
	v3 =	vld [tilespmem:s15+$0xFFFFFFD0]  }
0x9e: {  	v4 =	vld [tilespmem:s15+$0xFFFFFFE0];
	p1 =	slt.s32 s12, $0x7F  }
.Ltmp8:
0x9f: {  	v5 =	vld [tilespmem:s15+$0xFFFFFFF0];
	(pc) =	sbr.rel @!p1 .LBB2_15-.Ltmp8, $4  }
0xa0: {  	v7 =	vld [tilespmem:s15+$0x0]  }
0xa1: {  	v6 =	vimm.f32 $0.0e+00;
	v8 =	vld [tilespmem:s15+$0x10]  }
0xa2: {  	v9 =	vimm.f32 $0.0e+00;
	v10 =	vimm.f32 $0.0e+00;
	v12 =	vld [tilespmem:s15+$0x20];
	v2 =	vadd.f32 v2, v1  }
0xa3: {  	v11 =	vimm.f32 $0.0e+00;
	v13 =	vld [tilespmem:s15+$0xFFFFFFC0];
	s13 =	sadd.s32 $0x80, s15;
	v3 =	vadd.f32 v3, v1;
	v4 =	vadd.f32 v4, v1  }
.LBB2_14:
0xa4: {  	v14 =	vld [tilespmem:s13+$0x30];
	s12 =	sadd.s32 $0x1, s12;
	v1 =	vadd.f32 v5, v1  }
0xa5: {  	v15 =	vld [tilespmem:s13+$0xFFFFFFD0];
	p1 =	slt.s32 s12, $0x7F;
	v6 =	vadd.f32 v7, v6  }
0xa6: {  	v16 =	vld [tilespmem:s13+$0xFFFFFFE0];
	v9 =	vadd.f32 v8, v9  }
.Ltmp9:
0xa7: {  	v5 =	vld [tilespmem:s13+$0xFFFFFFF0];
	v10 =	vadd.f32 v12, v10;
	(pc) =	sbr.rel @p1 .LBB2_14-.Ltmp9, $4  }
0xa8: {  	v7 =	vld [tilespmem:s13+$0x0];
	v11 =	vadd.f32 v13, v11  }
0xa9: {  	v8 =	vld [tilespmem:s13+$0x10];
	v2 =	vadd.f32 v14, v2  }
0xaa: {  	v3 =	vadd.f32 v15, v3;
	v12 =	vld [tilespmem:s13+$0x20]  }
0xab: {  	v13 =	vld [tilespmem:s13+$0xFFFFFFC0];
	v4 =	vadd.f32 v16, v4;
	s13 =	sadd.s32 $0x80, s13  }
.LBB2_15:
.Ltmp10:
0xac: {  	_ = 	snop;
	(pc) =	sbr.rel .LBB2_16-.Ltmp10, $4  }
0xad: {  	_ = 	snop  }
0xae: {  	v14 =	vadd.f32 v5, v1  }
0xaf: {  	v6 =	vadd.f32 v7, v6;
	v7 =	vadd.f32 v8, v9  }
0xb0: {  	v5 =	vadd.f32 v12, v10;
	v1 =	vadd.f32 v13, v11  }
.LBB2_12:
0xb1: {  	v3 =	vimm.f32 $0.0e+00  }
0xb2: {  	v4 =	vimm.f32 $0.0e+00;
	v14 =	vimm.f32 $0.0e+00;
	v6 =	vimm.f32 $0.0e+00  }
0xb3: {  	v7 =	vimm.f32 $0.0e+00;
	v5 =	vimm.f32 $0.0e+00;
	v2 =	vimm.f32 $0.0e+00  }
.LBB2_16:
0xb4: {  	s10 =	sor.u32 $0x78, s10  }
0xb5: {  	s10 =	sand.u32 $0xFE78, s10  }
0xb6: {  	s10 =	sshrl.u32 s10, $0x3  }
0xb7: {  	s10 =	smul.u32 $0x147B, s10;
	_ =	sdelay $0x1  }
0xb8: {  	s10 =	sshrl.u32 s10, $0x11  }
0xb9: {  	s10 =	sshll.u32 s10, $0x7  }
0xba: {  	v8 =	vld [tilespmem:s10+$0x15000]  }
0xbb: {  	v9 =	vld [tilespmem:s10+$0x15010]  }
0xbc: {  	v10 =	vld [tilespmem:s10+$0x15020]  }
0xbd: {  	v11 =	vld [tilespmem:s10+$0x15030]  }
0xbe: {  	v12 =	vld [tilespmem:s10+$0x15040]  }
0xbf: {  	v1 =	vadd.f32 v8, v1;
	v8 =	vld [tilespmem:s10+$0x15050]  }
0xc0: {  	v3 =	vadd.f32 v9, v3;
	v9 =	vld [tilespmem:s10+$0x15060]  }
0xc1: {  	[tilespmem:s10+$0x15000] =	vst v1;
	v1 =	vadd.f32 v10, v4;
	v4 =	vld [tilespmem:s10+$0x15070]  }
0xc2: {  	[tilespmem:s10+$0x15010] =	vst v3;
	v3 =	vadd.f32 v11, v14  }
0xc3: {  	s12 =	sor.u32 $0x1, s17;
	[tilespmem:s10+$0x15020] =	vst v1;
	v1 =	vadd.f32 v12, v6  }
0xc4: {  	s13 =	smulhi.u32 $0x66666667, s12;
	[tilespmem:s10+$0x15030] =	vst v3;
	v3 =	vadd.f32 v8, v7  }
0xc5: {  	s15 =	sor.u32 $0x3, s17;
	[tilespmem:s10+$0x15040] =	vst v1;
	v1 =	vadd.f32 v9, v5  }
0xc6: {  	s30 =	smulhi.u32 $0x66666667, s15;
	s13 =	sshrl.u32 s13, $0x4;
	[tilespmem:s10+$0x15050] =	vst v3;
	v2 =	vadd.f32 v4, v2  }
0xc7: {  	s28 =	smul.u32 $0x28, s13;
	[tilespmem:s10+$0x15060] =	vst v1  }
0xc8: {  	[tilespmem:s10+$0x15070] =	vst v2  }
0xc9: {  	s13 =	sshrl.u32 s30, $0x4;
	s12 =	ssub.s32 s12, s28;
	_ =	swait.ge [sflag:s23], $0x4000  }
0xca: {  	s12 =	sshll.u32 s12, $0x7;
	s10 =	sadd.s32 $0x2800, s6;
	[sflag:s23] =	ssyncset.done $0x0  }
0xcb: {  	s13 =	smul.u32 $0x28, s13;
	s12 =	sadd.s32 s12, s10;
	[sflag:s23] =	ssyncadd.s32 $0xFFFFC000  }
0xcc: {  	[spmem:s5] =	stream.indirect.scatter.add.f32 [tilespmem:s20], [sflag:$0x5], $0x80, s12, s18, $0xb8;
	[tilespmem:$0x1D000] =	vst v63  }
0xcd: {  	s13 =	ssub.s32 s15, s13;
	s12 =	simm.s32 @!p0 $0x6  }
0xce: {  	s13 =	sshll.u32 s13, $0x9;
	_ =	swait.ge @!p0 [sflag:s12], $0x4000  }
0xcf: {  	s13 =	sshrl.u32 s13, $0x2;
	[sflag:s12] =	ssyncset.done @!p0 $0x0  }
0xd0: {  	s28 =	sadd.s32 s13, s6;
	[sflag:s12] =	ssyncadd.s32 @!p0 $0xFFFFC000;
	p0 =	sgt.u32 s4, $0x27  }
0xd1: {  	[tilespmem:s24], [sflag:$0x4] =	stream.indirect.gather [hbm4b:s2+s18], $0x80, s28, s18, $0xb8;
	[tilespmem:$0x1D000] =	vst v63  }
0xd2: {  	s6 =	sand.u32 @!p0 $0xFF, s11  }
0xd3: {  	p2 =	sne.s32 @!p0 s6, $0x2  }
0xd4: {  	s6 =	sand.u32 $0x1F, s14;
	p1 =	por p2, p0  }
0xd5: {  	s6 =	sadd.s32 @!p1 $0x1, s6  }
0xd6: {  	s11 =	smul.u32 @!p1 $0x1400, s6;
	s6 =	sand.u32 @!p1 $0x1, s6  }
0xd7: {  	p3 =	seq.s32 @!p1 s6, $0x1  }
0xd8: {  	s6 =	sadd.s32 @!p1 s7, s11;
	p2 =	por @!p0 !p3, p2  }
0xd9: {  	s12 =	simm.s32 @!p1 $0x1400;
	p0 =	por !p2, p0;
	s6 =	sshrl.u32 @!p1 s6, $0x3  }
0xda: {  	s14 =	simm.s32 @!p1 $0x0;
	s12 =	simm.s32 @!p0 $0x0;
	s6 =	sadd.s32 @!p1 s0, s6  }
0xdb: {  	[tilespmem:s12], [sflag:$0x7] =	stream.linear.gather @!p1 [hbm4b:s6+s14], $0x1400, $0x38;
	[tilespmem:$0x1D000] =	vst v63  }
0xdc: {  	p0 =	seq.s32 s4, $0x31;
	s6 =	sadd.s32 @!p1 s8, s11  }
0xdd: {  	s11 =	sadd.s32 @!p0 $0x4, s17;
	s6 =	sshrl.u32 @!p1 s6, $0x3  }
0xde: {  	s12 =	sor.u32 @!p1 $0x2800, s12;
	s15 =	smulhi.u32 @!p0 $0x66666667, s11;
	s6 =	sadd.s32 @!p1 s1, s6  }
0xdf: {  	[tilespmem:s12], [sflag:$0x7] =	stream.linear.gather @!p1 [hbm4b:s6+s14], $0x1400, $0x38;
	[tilespmem:$0x1D000] =	vst v63  }
0xe0: {  	s30 =	smulhi.u32 $0x51EB851F, s19;
	s6 =	sshrl.u32 @!p0 s15, $0x4  }
0xe1: {  	s12 =	smul.u32 @!p0 $0x28, s6;
	_ =	swait.ge [sflag:s25], $0x4000;
	s6 =	sand.u32 @!p0 $0x1, s6  }
0xe2: {  	p1 =	seq.s32 @!p0 s6, $0x1;
	s6 =	sshll.u32 s9, $0x7;
	s9 =	simm.s32 @!p0 $0x1400  }
0xe3: {  	[sflag:s25] =	ssyncset.done $0x0;
	s11 =	ssub.s32 @!p0 s11, s12;
	s14 =	smulhi.u32 $0x51EB851F, s6  }
0xe4: {  	p1 =	por !p1, p0;
	[sflag:s25] =	ssyncadd.s32 $0xFFFFC000;
	s12 =	simm.s32 @!p0 $0x5000  }
0xe5: {  	s9 =	simm.s32 @p1 $0x0;
	s11 =	sshll.u32 @!p0 s11, $0x7;
	s14 =	sshrl.u32 s14, $0x6  }
0xe6: {  	s9 =	sadd.s32 @!p0 s11, s9;
	s11 =	simm.s32 @!p0 $0x80;
	s28 =	smul.u32 $0xC8, s14  }
0xe7: {  	[tilespmem:s12], [sflag:$0x1] =	stream.indirect.gather @!p0 [hbm4b:s2+s11], $0x80, s9, s11, $0xb8;
	[tilespmem:$0x1D000] =	vst v63  }
0xe8: {  	s15 =	sshrl.u32 s30, $0x6;
	s30 =	ssub.s32 s28, s6  }
0xe9: {  	s11 =	sadd.s32 $0xC8, s30  }
0xea: {  	p1 =	slt.s32 s11, $0x1  }
.Ltmp11:
0xeb: {  	_ = 	snop;
	(pc) =	sbr.rel @p1 .LBB2_23-.Ltmp11, $4  }
0xec: {  	_ = 	snop  }
0xed: {  	v6 =	vimm.f32 $0.0e+00;
	v7 =	vimm.f32 $0.0e+00;
	v8 =	vimm.f32 $0.0e+00;
	s9 =	smul.u32 $0xC8, s15  }
0xee: {  	v9 =	vimm.f32 $0.0e+00;
	v5 =	vimm.f32 $0.0e+00;
	v4 =	vimm.f32 $0.0e+00  }
0xef: {  	v3 =	vimm.f32 $0.0e+00;
	v1 =	vimm.f32 $0.0e+00;
	v2 =	vimm.f32 $0.0e+00;
	s9 =	sadd.s32 s9, s16  }
0xf0: {  	p1 =	sgt.s32 s9, $0x1;
	s12 =	smov.u32 s9  }
0xf1: {  	s12 =	simm.s32 @!p1 $0x1  }
0xf2: {  	s15 =	smin.u32 s12, $0x80  }
0xf3: {  	p2 =	sne.s32 s15, $0x1  }
.Ltmp12:
0xf4: {  	_ = 	snop;
	(pc) =	sbr.rel @!p2 .LBB2_18-.Ltmp12, $3  }
0xf5: {  	_ =	sdelay $0x1  }
0xf6: {  	s12 =	simm.s32 $0xD040  }
0xf7: {  	p1 =	por $0x0, $0x0;
	v3 =	vld [tilespmem:s12+$0x30];
	s15 =	sadd.s32 $0xFFFFFFFF, s15  }
0xf8: {  	v4 =	vld [tilespmem:s12+$0xFFFFFFD0]  }
0xf9: {  	v5 =	vld [tilespmem:s12+$0xFFFFFFE0]  }
0xfa: {  	v6 =	vld [tilespmem:s12+$0xFFFFFFF0];
	p2 =	sne.s32 s15, $0x1  }
.Ltmp13:
0xfb: {  	v8 =	vld [tilespmem:s12+$0x0];
	(pc) =	sbr.rel @!p2 .LBB2_20-.Ltmp13, $4  }
0xfc: {  	v9 =	vld [tilespmem:s12+$0x10]  }
0xfd: {  	v10 =	vld [tilespmem:s12+$0x20];
	v7 =	vimm.f32 $0.0e+00;
	v11 =	vimm.f32 $0.0e+00  }
0xfe: {  	v12 =	vld [tilespmem:s12+$0xFFFFFFC0];
	s12 =	simm.s32 $0xD0C0;
	v13 =	vimm.f32 $0.0e+00;
	v2 =	vadd.f32 v3, v1;
	v4 =	vadd.f32 v4, v1  }
0xff: {  	s15 =	sadd.s32 $0xFFFFFFFF, s15;
	p1 =	por $0x1, $0x1;
	v14 =	vimm.f32 $0.0e+00;
	v3 =	vld [tilespmem:s12+$0x30];
	v5 =	vadd.f32 v5, v1;
	v6 =	vadd.f32 v6, v1  }
.LBB2_21:
0x100: {  	p2 =	sne.s32 s15, $0x1;
	v15 =	vld [tilespmem:s12+$0xFFFFFFD0];
	v7 =	vadd.f32 v8, v7  }
0x101: {  	v16 =	vld [tilespmem:s12+$0xFFFFFFE0];
	v11 =	vadd.f32 v9, v11  }
0x102: {  	v17 =	vld [tilespmem:s12+$0xFFFFFFF0];
	v13 =	vadd.f32 v10, v13  }
.Ltmp14:
0x103: {  	v8 =	vld [tilespmem:s12+$0x0];
	v14 =	vadd.f32 v12, v14;
	(pc) =	sbr.rel @p2 .LBB2_21-.Ltmp14, $4  }
0x104: {  	v9 =	vld [tilespmem:s12+$0x10];
	v2 =	vadd.f32 v3, v2  }
0x105: {  	v4 =	vadd.f32 v15, v4;
	v10 =	vld [tilespmem:s12+$0x20]  }
0x106: {  	v12 =	vld [tilespmem:s12+$0xFFFFFFC0];
	v5 =	vadd.f32 v16, v5;
	s12 =	sadd.s32 $0x80, s12  }
0x107: {  	s15 =	sadd.s32 $0xFFFFFFFF, s15;
	v3 =	vld [tilespmem:s12+$0x30];
	v6 =	vadd.f32 v17, v6  }
.LBB2_22:
0x108: {  	v15 =	vld [tilespmem:s12+$0xFFFFFFD0]  }
0x109: {  	v16 =	vld [tilespmem:s12+$0xFFFFFFE0]  }
0x10a: {  	v17 =	vld [tilespmem:s12+$0xFFFFFFF0]  }
0x10b: {  	v18 =	vld [tilespmem:s12+$0x0]  }
0x10c: {  	v19 =	vld [tilespmem:s12+$0x10]  }
0x10d: {  	v7 =	vadd.f32 @p1 v8, v7;
	v63 =	vld [tilespmem:s12+$0xFFFFFFC0];
	v8 =	vadd.f32 @p1 v9, v11  }
0x10e: {  	v9 =	vld [tilespmem:s12+$0x20];
	v10 =	vadd.f32 @p1 v10, v13;
	v11 =	vadd.f32 @p1 v12, v14  }
0x10f: {  	v2 =	vadd.f32 v3, v2;
	v4 =	vadd.f32 v15, v4  }
0x110: {  	v5 =	vadd.f32 v16, v5;
	v3 =	vadd.f32 v17, v6  }
0x111: {  	v6 =	vpsel p1, v7, v1;
	v7 =	vpsel p1, v8, v1;
	v8 =	vpsel p1, v10, v1  }
0x112: {  	v10 =	vpsel p1, v11, v1;
	v6 =	vadd.f32 v18, v6;
	v7 =	vadd.f32 v19, v7  }
0x113: {  	v8 =	vadd.f32 v9, v8;
	v9 =	vadd.f32 v63, v10  }
.LBB2_23:
0x114: {  	s12 =	sshll.u32 s14, $0x7  }
0x115: {  	s12 =	sand.u32 $0x3FFFFF80, s12  }
0x116: {  	v10 =	vld [tilespmem:s12+$0x15000]  }
0x117: {  	v11 =	vld [tilespmem:s12+$0x15010]  }
0x118: {  	v12 =	vld [tilespmem:s12+$0x15020]  }
0x119: {  	v13 =	vld [tilespmem:s12+$0x15030]  }
0x11a: {  	v14 =	vld [tilespmem:s12+$0x15040]  }
0x11b: {  	v60 =	vld [tilespmem:s12+$0x15060];
	v9 =	vadd.f32 v10, v9  }
0x11c: {  	v61 =	vld [tilespmem:s12+$0x15070];
	v4 =	vadd.f32 v11, v4  }
0x11d: {  	v59 =	vld [tilespmem:s12+$0x15050];
	v5 =	vadd.f32 v12, v5;
	[tilespmem:s12+$0x15000] =	vst v9  }
0x11e: {  	v3 =	vadd.f32 v13, v3;
	[tilespmem:s12+$0x15010] =	vst v4  }
0x11f: {  	p1 =	sgt.s32 s11, $0x7F;
	v62 =	vadd.f32 v14, v6;
	[tilespmem:s12+$0x15020] =	vst v5  }
.Ltmp15:
0x120: {  	v63 =	vadd.f32 v60, v8;
	[tilespmem:s12+$0x15030] =	vst v3;
	(pc) =	sbr.rel @p1 .LBB2_24-.Ltmp15, $4  }
0x121: {  	v2 =	vadd.f32 v61, v2;
	[tilespmem:s12+$0x15040] =	vst v62  }
0x122: {  	v3 =	vadd.f32 v59, v7;
	[tilespmem:s12+$0x15060] =	vst v63  }
0x123: {  	[tilespmem:s12+$0x15070] =	vst v2  }
0x124: {  	[tilespmem:s12+$0x15050] =	vst v3  }
0x125: {  	p1 =	slt.s32 s9, $0x80  }
0x126: {  	s9 =	simm.s32 @!p1 $0x80  }
0x127: {  	s11 =	sshll.u32 s9, $0x9  }
0x128: {  	s11 =	sshra.s32 s11, $0x2  }
0x129: {  	s11 =	sadd.s32 $0xD040, s11  }
0x12a: {  	s9 =	sadd.s32 $0xFFFFFFFF, s9;
	v2 =	vld [tilespmem:s11+$0x30]  }
0x12b: {  	s9 =	sadd.s32 $0x1, s9;
	v3 =	vld [tilespmem:s11+$0xFFFFFFD0]  }
0x12c: {  	p1 =	slt.s32 s9, $0x7F;
	v4 =	vld [tilespmem:s11+$0xFFFFFFE0]  }
.Ltmp16:
0x12d: {  	v5 =	vld [tilespmem:s11+$0xFFFFFFF0];
	(pc) =	sbr.rel @!p1 .LBB2_27-.Ltmp16, $4  }
0x12e: {  	v7 =	vld [tilespmem:s11+$0x0]  }
0x12f: {  	v6 =	vimm.f32 $0.0e+00;
	v8 =	vld [tilespmem:s11+$0x10]  }
0x130: {  	v9 =	vimm.f32 $0.0e+00;
	v10 =	vimm.f32 $0.0e+00;
	v12 =	vld [tilespmem:s11+$0x20];
	v2 =	vadd.f32 v2, v1  }
0x131: {  	v11 =	vimm.f32 $0.0e+00;
	v13 =	vld [tilespmem:s11+$0xFFFFFFC0];
	s11 =	sadd.s32 $0x80, s11;
	v3 =	vadd.f32 v3, v1;
	v4 =	vadd.f32 v4, v1  }
.LBB2_26:
0x132: {  	v14 =	vld [tilespmem:s11+$0x30];
	s9 =	sadd.s32 $0x1, s9;
	v1 =	vadd.f32 v5, v1  }
0x133: {  	v15 =	vld [tilespmem:s11+$0xFFFFFFD0];
	p1 =	slt.s32 s9, $0x7F;
	v6 =	vadd.f32 v7, v6  }
0x134: {  	v16 =	vld [tilespmem:s11+$0xFFFFFFE0];
	v9 =	vadd.f32 v8, v9  }
.Ltmp17:
0x135: {  	v5 =	vld [tilespmem:s11+$0xFFFFFFF0];
	v10 =	vadd.f32 v12, v10;
	(pc) =	sbr.rel @p1 .LBB2_26-.Ltmp17, $4  }
0x136: {  	v7 =	vld [tilespmem:s11+$0x0];
	v11 =	vadd.f32 v13, v11  }
0x137: {  	v8 =	vld [tilespmem:s11+$0x10];
	v2 =	vadd.f32 v14, v2  }
0x138: {  	v3 =	vadd.f32 v15, v3;
	v12 =	vld [tilespmem:s11+$0x20]  }
0x139: {  	v13 =	vld [tilespmem:s11+$0xFFFFFFC0];
	v4 =	vadd.f32 v16, v4;
	s11 =	sadd.s32 $0x80, s11  }
.LBB2_27:
.Ltmp18:
0x13a: {  	_ = 	snop;
	(pc) =	sbr.rel .LBB2_28-.Ltmp18, $4  }
0x13b: {  	_ = 	snop  }
0x13c: {  	v5 =	vadd.f32 v5, v1  }
0x13d: {  	v6 =	vadd.f32 v7, v6;
	v7 =	vadd.f32 v8, v9  }
0x13e: {  	v8 =	vadd.f32 v12, v10;
	v1 =	vadd.f32 v13, v11  }
.LBB2_24:
0x13f: {  	v3 =	vimm.f32 $0.0e+00  }
0x140: {  	v4 =	vimm.f32 $0.0e+00;
	v5 =	vimm.f32 $0.0e+00;
	v6 =	vimm.f32 $0.0e+00  }
0x141: {  	v7 =	vimm.f32 $0.0e+00;
	v8 =	vimm.f32 $0.0e+00;
	v2 =	vimm.f32 $0.0e+00  }
.LBB2_28:
0x142: {  	s6 =	sor.u32 $0x78, s6  }
0x143: {  	s6 =	smulhi.u32 $0x51EB851F, s6;
	_ =	sdelay $0x1  }
0x144: {  	s6 =	sshrl.u32 s6, $0x6  }
0x145: {  	s6 =	sshll.u32 s6, $0x7  }
0x146: {  	s6 =	sand.u32 $0x3FFFFF80, s6  }
0x147: {  	v9 =	vld [tilespmem:s6+$0x15000]  }
0x148: {  	v10 =	vld [tilespmem:s6+$0x15010]  }
0x149: {  	v63 =	vld [tilespmem:s6+$0x15070]  }
0x14a: {  	v11 =	vld [tilespmem:s6+$0x15020]  }
0x14b: {  	v12 =	vld [tilespmem:s6+$0x15030]  }
0x14c: {  	v13 =	vld [tilespmem:s6+$0x15040];
	v1 =	vadd.f32 v9, v1  }
0x14d: {  	v61 =	vld [tilespmem:s6+$0x15050];
	v3 =	vadd.f32 v10, v3  }
0x14e: {  	v62 =	vld [tilespmem:s6+$0x15060];
	v2 =	vadd.f32 v63, v2;
	[tilespmem:s6+$0x15000] =	vst v1  }
0x14f: {  	v1 =	vadd.f32 v11, v4;
	[tilespmem:s6+$0x15010] =	vst v3  }
0x150: {  	v3 =	vadd.f32 v12, v5;
	[tilespmem:s6+$0x15070] =	vst v2  }
0x151: {  	[tilespmem:s6+$0x15020] =	vst v1;
	v1 =	vadd.f32 v13, v6  }
0x152: {  	[tilespmem:s6+$0x15030] =	vst v3;
	v3 =	vadd.f32 v61, v7  }
0x153: {  	[tilespmem:s6+$0x15040] =	vst v1;
	v1 =	vadd.f32 v62, v8  }
0x154: {  	[tilespmem:s6+$0x15050] =	vst v3  }
.Ltmp19:
0x155: {  	[tilespmem:s6+$0x15060] =	vst v1;
	(pc) =	sbr.rel @p0 .LBB2_30-.Ltmp19, $4  }
0x156: {  	_ =	swait.ge [sflag:s26], $0x4000  }
0x157: {  	[sflag:s26] =	ssyncset.done $0x0  }
0x158: {  	s30 =	sadd.s32 s13, s10;
	[sflag:s26] =	ssyncadd.s32 $0xFFFFC000  }
0x159: {  	[spmem:s5] =	stream.indirect.scatter.add.f32 [tilespmem:s24], [sflag:$0x6], $0x80, s30, s18, $0xb8;
	[tilespmem:$0x1D000] =	vst v63  }
0x15a: {  	s6 =	sadd.s32 $0x5, s17  }
0x15b: {  	s9 =	smulhi.u32 $0x66666667, s6;
	_ =	sdelay $0x1  }
0x15c: {  	_ =	swait.ge [sflag:s29], $0x4000;
	s4 =	sadd.s32 $0x1, s4;
	s9 =	sshrl.u32 s9, $0x4  }
0x15d: {  	s3 =	sadd.s32 $0xFFFFFE00, s3;
	s31 =	sadd.s32 $0x200, s31;
	s10 =	smul.u32 $0x28, s9  }
.Ltmp20:
0x15e: {  	s16 =	sadd.s32 $0xFFFFFE00, s16;
	s9 =	sand.u32 $0x1, s9;
	(pc) =	sbr.rel .LBB2_4-.Ltmp20, $4  }
0x15f: {  	p0 =	seq.s32 s9, $0x1;
	s9 =	simm.s32 $0x1400;
	s6 =	ssub.s32 s6, s10  }
0x160: {  	[sflag:s29] =	ssyncset.done $0x0;
	s9 =	simm.s32 @!p0 $0x0;
	s6 =	sshll.u32 s6, $0x7  }
0x161: {  	s19 =	sadd.s32 $0x200, s19;
	[sflag:s29] =	ssyncadd.s32 $0xFFFFC000;
	s6 =	sadd.s32 s6, s9  }
0x162: {  	[tilespmem:s20], [sflag:$0x2] =	stream.indirect.gather [hbm4b:s2+s18], $0x80, s6, s18, $0xb8;
	[tilespmem:$0x1D000] =	vst v63  }
.LBB2_6:
.Ltmp21:
0x163: {  	(pc) =	sbr.rel .LBB2_10-.Ltmp21, $4  }
0x164: {  	_ = 	snop  }
0x165: {  	v7 =	vimm.f32 $0.0e+00;
	v11 =	vimm.f32 $0.0e+00  }
0x166: {  	v13 =	vimm.f32 $0.0e+00;
	v14 =	vimm.f32 $0.0e+00;
	v2 =	vimm.f32 $0.0e+00  }
0x167: {  	v4 =	vimm.f32 $0.0e+00;
	v5 =	vimm.f32 $0.0e+00;
	v6 =	vimm.f32 $0.0e+00  }
.LBB2_18:
.Ltmp22:
0x168: {  	(pc) =	sbr.rel .LBB2_22-.Ltmp22, $4  }
0x169: {  	_ = 	snop  }
0x16a: {  	v7 =	vimm.f32 $0.0e+00;
	v11 =	vimm.f32 $0.0e+00  }
0x16b: {  	v13 =	vimm.f32 $0.0e+00;
	v14 =	vimm.f32 $0.0e+00;
	v2 =	vimm.f32 $0.0e+00  }
0x16c: {  	v4 =	vimm.f32 $0.0e+00;
	v5 =	vimm.f32 $0.0e+00;
	v6 =	vimm.f32 $0.0e+00  }
.LBB2_8:
.Ltmp23:
0x16d: {  	(pc) =	sbr.rel .LBB2_10-.Ltmp23, $3  }
0x16e: {  	_ =	sdelay $0x1  }
0x16f: {  	v7 =	vimm.f32 $0.0e+00  }
0x170: {  	v11 =	vimm.f32 $0.0e+00;
	v13 =	vimm.f32 $0.0e+00;
	v14 =	vimm.f32 $0.0e+00  }
.LBB2_20:
.Ltmp24:
0x171: {  	(pc) =	sbr.rel .LBB2_22-.Ltmp24, $3  }
0x172: {  	_ =	sdelay $0x1  }
0x173: {  	v7 =	vimm.f32 $0.0e+00  }
0x174: {  	v11 =	vimm.f32 $0.0e+00;
	v13 =	vimm.f32 $0.0e+00;
	v14 =	vimm.f32 $0.0e+00  }
.LBB2_31:
0x175: {  	_ =	sfence.sel $0x180000  }
0x176: {  	[bflag:$0x0] =	sbarrier.arrive $0xFFFF  }
0x177: {  	_ =	strace $0x90000047  }
0x178: {  	s0 =	stileid.u32;
	[bflag:$0x2] =	sbarrier.arrive $0xFFFF  }
0x179: {  	p0 =	sne.s32 s0, $0x0;
	s0 =	rddreg [dreg:$0x5]  }
0x17a: {  	s0 =	sadd.s32 @!p0 $0x100000, s0  }
0x17b: {  	[sflag:s0] =	ssyncadd.tile.s32 @!p0 $0x1;
	_ =	shalt  }
.Lfunc_end2:
_tile_overlayer_lowered:
.L_overlay_start_2:
0x17c: {  	(tag) =	ssettag $0x2  }
0x17d: {  	s0 =	rddreg [dreg:$0x0];
	s2 =	stileid.u32  }
0x17e: {  	s1 =	rddreg [dreg:$0x1];
	p0 =	sne.s32 s2, $0x0  }
0x17f: {  	s3 =	rddreg [dreg:$0x2];
	[bflag:$0x3] =	sbarrier.arrive $0xFFFF;
	s2 =	simm.s32 @!p0 $0x1C08  }
0x180: {  	[timem:s3], [sflag:s2] =	dma.local @!p0 [hbm:s0], s1  }
0x181: {  	s0 =	simm.s32 @!p0 $0x8  }
0x182: {  	_ =	swait.ge @!p0 [sflag:s0], s1  }
0x183: {  	s1 =	ssub.s32 @!p0 $0x0, s1;
	[sflag:s0] =	ssyncset.done @!p0 $0x0  }
0x184: {  	[sflag:s0] =	ssyncadd.s32 @!p0 s1  }
0x185: {  	[bflag:$0x3] =	sbarrier.arrive $0xFFFF  }
0x186: {  	_ =	shalt  }

</sc_bundles>
